<compile_context>
chip_gen: v7x
topology: tpu7x:2x2x1
jax: 0.10.2.dev20260603
libtpu: 0.0.44.dev20260713+nightly
codegen_flags: <defaults>
</compile_context>

<pallas_src>
import functools

import jax
import jax.numpy as jnp
from jax import lax
from jax.experimental import pallas as pl
from jax.experimental.pallas import tpu as pltpu
from jax.experimental.pallas import tpu_sc as plsc

N = 100000
E = 6400000
B = 64
HIDDEN = 32

N_PAD = 102400
NUM_CORES = 2
NUM_SUBCORES = 16
NW = NUM_CORES * NUM_SUBCORES
ROWS_PER_TILE = N_PAD // NUM_SUBCORES
EPW = E // NW
CHUNK = 5000
NCHUNK = EPW // CHUNK

BN = 20480
GRID = N_PAD // BN


def _sc_messages(src, dst, a0, a1, e0, e1):
    mesh = plsc.VectorSubcoreMesh(core_axis_name="c", subcore_axis_name="s")

    @functools.partial(
        pl.kernel,
        mesh=mesh,
        out_type=jax.ShapeDtypeStruct((NUM_CORES, 2, N_PAD), jnp.float32),
        scratch_types=[
            [pltpu.VMEM((CHUNK,), jnp.int32)] * 2,
            [pltpu.VMEM((CHUNK,), jnp.int32)] * 2,
            [pltpu.VMEM((CHUNK,), jnp.float32)] * 2,
            [pltpu.VMEM((CHUNK,), jnp.float32)] * 2,
            pltpu.VMEM((CHUNK,), jnp.float32),
            pltpu.VMEM((CHUNK,), jnp.float32),
            pltpu.VMEM((ROWS_PER_TILE,), jnp.float32),
            pltpu.VMEM_SHARED((N_PAD,), jnp.float32),
            pltpu.VMEM_SHARED((N_PAD,), jnp.float32),
            pltpu.VMEM_SHARED((N_PAD,), jnp.float32),
            pltpu.VMEM_SHARED((N_PAD,), jnp.float32),
            pltpu.SemaphoreType.DMA,
            pltpu.SemaphoreType.DMA,
            [pltpu.SemaphoreType.DMA] * 4,
        ],
    )
    def k(src_h, dst_h, a0_h, a1_h, e0_h, e1_h, out_h,
          src_v, dst_v, e0_v, e1_v, g0_v, g1_v, zbuf,
          a0_s, a1_s, ft0_s, ft1_s, sem0, sem1, sem_l):
        cid = lax.axis_index("c")
        sid = lax.axis_index("s")
        wid = sid * NUM_CORES + cid
        row0 = sid * ROWS_PER_TILE
        rows = pl.ds(row0, ROWS_PER_TILE)

        @plsc.parallel_loop(0, ROWS_PER_TILE, 16, unroll=8)
        def zfill(i):
            zbuf[pl.ds(i, 16)] = jnp.zeros((16,), jnp.float32)
        pltpu.sync_copy(zbuf, ft0_s.at[rows])
        pltpu.sync_copy(zbuf, ft1_s.at[rows])
        pltpu.sync_copy(a0_h.at[rows], a0_s.at[rows])
        pltpu.sync_copy(a1_h.at[rows], a1_s.at[rows])
        plsc.subcore_barrier()

        ebase = wid * EPW

        def issue_loads(kk, p):
            sl = pl.ds(ebase + kk * CHUNK, CHUNK)
            pltpu.async_copy(src_h.at[sl], src_v[p], sem_l[0])
            pltpu.async_copy(dst_h.at[sl], dst_v[p], sem_l[1])
            pltpu.async_copy(e0_h.at[sl], e0_v[p], sem_l[2])
            pltpu.async_copy(e1_h.at[sl], e1_v[p], sem_l[3])

        def wait_loads(kk, p):
            sl = pl.ds(ebase + kk * CHUNK, CHUNK)
            pltpu.make_async_copy(src_h.at[sl], src_v[p], sem_l[0]).wait()
            pltpu.make_async_copy(dst_h.at[sl], dst_v[p], sem_l[1]).wait()
            pltpu.make_async_copy(e0_h.at[sl], e0_v[p], sem_l[2]).wait()
            pltpu.make_async_copy(e1_h.at[sl], e1_v[p], sem_l[3]).wait()

        def chunk_step(kk, p):
            wait_loads(kk, p)

            @pl.when(kk + 1 < NCHUNK)
            def _():
                issue_loads(kk + 1, 1 - p)

            cp0 = pltpu.async_copy(a0_s.at[src_v[p]], g0_v, sem0)
            cp1 = pltpu.async_copy(a1_s.at[src_v[p]], g1_v, sem1)
            cp0.wait()
            cp1.wait()

            @plsc.parallel_loop(0, CHUNK, 16, unroll=8)
            def mul(j):
                s16 = pl.ds(j, 16)
                g0_v[s16] = g0_v[s16] * e0_v[p][s16]
                g1_v[s16] = g1_v[s16] * e1_v[p][s16]
            pltpu.sync_copy(g0_v, ft0_s.at[dst_v[p]], add=True)
            pltpu.sync_copy(g1_v, ft1_s.at[dst_v[p]], add=True)

        issue_loads(0, 0)

        def body(i, _):
            chunk_step(2 * i, 0)
            chunk_step(2 * i + 1, 1)
            return 0
        lax.fori_loop(0, NCHUNK // 2, body, 0)
        plsc.subcore_barrier()
        pltpu.sync_copy(ft0_s.at[rows], out_h.at[cid, 0, rows])
        pltpu.sync_copy(ft1_s.at[rows], out_h.at[cid, 1, rows])

    return k(src, dst, a0, a1, e0, e1)


def _tc_tail(ftp, gid_pad, wT, bl, wm, bm):
    def body(ftp_ref, gid_ref, wT_ref, bl_ref, wm_ref, bm_ref, out_ref, hg):
        i = pl.program_id(0)

        @pl.when(i == 0)
        def _():
            hg[...] = jnp.zeros_like(hg)

        ft0 = ftp_ref[0, 0, :] + ftp_ref[1, 0, :]
        ft1 = ftp_ref[0, 1, :] + ftp_ref[1, 1, :]
        h = ft0[:, None] * wT_ref[0:1, :] + ft1[:, None] * wT_ref[1:2, :]
        h = jnp.maximum(h + bl_ref[...], 0.0)
        gid = gid_ref[...]
        onehot = (lax.broadcasted_iota(jnp.int32, (B, BN), 0)
                  == gid[None, :]).astype(jnp.float32)
        hg[...] += jnp.dot(onehot, h, preferred_element_type=jnp.float32)

        @pl.when(i == GRID - 1)
        def _():
            out_ref[...] = (jnp.sum(hg[...] * wm_ref[...], axis=1,
                                    keepdims=True) + bm_ref[0, 0])

    return pl.pallas_call(
        body,
        grid=(GRID,),
        in_specs=[
            pl.BlockSpec((NUM_CORES, 2, BN), lambda i: (0, 0, i)),
            pl.BlockSpec((BN,), lambda i: (i,)),
            pl.BlockSpec((2, HIDDEN), lambda i: (0, 0)),
            pl.BlockSpec((1, HIDDEN), lambda i: (0, 0)),
            pl.BlockSpec((1, HIDDEN), lambda i: (0, 0)),
            pl.BlockSpec((1, 1), lambda i: (0, 0)),
        ],
        out_specs=pl.BlockSpec((B, 1), lambda i: (0, 0)),
        out_shape=jax.ShapeDtypeStruct((B, 1), jnp.float32),
        scratch_shapes=[pltpu.VMEM((B, HIDDEN), jnp.float32)],
    )(ftp, gid_pad, wT, bl, wm, bm)


def kernel(h, edge_index, atom_type, eig, e, graph_ids, emb_table,
           W_lin, b_lin, W_mlp, b_mlp):
    src = edge_index[0].astype(jnp.int32)
    dst = edge_index[1].astype(jnp.int32)
    pad = N_PAD - N
    eT = eig.T
    aT = atom_type.T
    a0 = jnp.pad(aT[0], (0, pad))
    a1 = jnp.pad(aT[1], (0, pad))
    gid_pad = jnp.pad(graph_ids.astype(jnp.int32), (0, pad),
                      constant_values=B)
    ftp = _sc_messages(src, dst, a0, a1, eT[0], eT[1])
    out = _tc_tail(ftp, gid_pad, W_lin.T,
                   b_lin.reshape(1, HIDDEN), W_mlp, b_mlp.reshape(1, 1))
    return out

# --- scband reference (transcript-rebuilt; emitter-appended) ---
"""Pipeline reference for scband-mpnn-46076409151746 (READ-ONLY COPY).

The authoritative reference and input builder live on the scoring server;
editing this copy changes nothing except your own understanding.
"""

import jax, jax.numpy as jnp
import numpy as np

N = 100000
E = 6400000
B = 64
HIDDEN = 32
IN_DIM = 2
VOCAB = 28

def setup_inputs(seed: int = 0) -> dict:
    key = jax.random.key(seed)
    ks = jax.random.split(key, 12)
    h = jax.random.randint(ks[0], (N,), 0, VOCAB)
    edge_index = jax.random.randint(ks[1], (2, E), 0, N)
    atom_type = jax.random.normal(ks[2], (N, IN_DIM), dtype=jnp.float32)
    eig = jax.random.normal(ks[3], (E, IN_DIM), dtype=jnp.float32)
    e = jax.random.normal(ks[4], (E, IN_DIM), dtype=jnp.float32)
    graph_ids = jnp.sort(jax.random.randint(ks[5], (N,), 0, B))
    emb_table = jax.random.normal(ks[6], (VOCAB, HIDDEN), dtype=jnp.float32) * 0.02
    W_lin = jax.random.normal(ks[7], (HIDDEN, IN_DIM), dtype=jnp.float32) * (1.0 / np.sqrt(IN_DIM))
    b_lin = jnp.zeros((HIDDEN,), dtype=jnp.float32)
    W_mlp = jax.random.normal(ks[8], (1, HIDDEN), dtype=jnp.float32) * (1.0 / np.sqrt(HIDDEN))
    b_mlp = jnp.zeros((1,), dtype=jnp.float32)
    return {"h": h, "edge_index": edge_index, "atom_type": atom_type, "eig": eig,
            "e": e, "graph_ids": graph_ids, "emb_table": emb_table,
            "W_lin": W_lin, "b_lin": b_lin, "W_mlp": W_mlp, "b_mlp": b_mlp}

def reference(h, edge_index, atom_type, eig, e, graph_ids, emb_table, W_lin, b_lin, W_mlp, b_mlp):
    src = edge_index[0]
    dst = edge_index[1]
    # h = self.embedding(h) -- computed then discarded by the layer (faithful to original)
    h_emb = jnp.take(emb_table, h, axis=0)
    # MPNN_Layer: g.update_all(fn.u_mul_e('atom_type', 'e', 'm'), fn.sum('m', 'ft'))
    m = jnp.take(atom_type, src, axis=0) * eig
    ft = jax.ops.segment_sum(m, dst, num_segments=N)
    h_out = jax.nn.relu(ft @ W_lin.T + b_lin)
    # dgl.sum_nodes readout per graph
    hg = jax.ops.segment_sum(h_out, graph_ids, num_segments=B)
    out = hg @ W_mlp.T + b_mlp
    return out

if __name__ == "__main__":
    import jax
    _d = setup_inputs()
    print(jax.jit(kernel)(*tuple(_d.values())))

</pallas_src>

<mosaic_0001>
#map = affine_map<(d0, d1) -> (0)>
#map1 = affine_map<(d0, d1) -> (0, 0, 0)>
module attributes {stable_mosaic.version = 14 : i64} {
  func.func @k(%arg0: i32, %arg1: i32, %arg2: memref<6400000xi32, #tpu.memory_space<hbm>>, %arg3: memref<6400000xi32, #tpu.memory_space<hbm>>, %arg4: memref<102400xf32, #tpu.memory_space<hbm>>, %arg5: memref<102400xf32, #tpu.memory_space<hbm>>, %arg6: memref<6400000xf32, #tpu.memory_space<hbm>>, %arg7: memref<6400000xf32, #tpu.memory_space<hbm>>, %arg8: memref<2x2x102400xf32, #tpu.memory_space<hbm>>, %arg9: memref<5000xi32, #tpu.memory_space<vmem>>, %arg10: memref<5000xi32, #tpu.memory_space<vmem>>, %arg11: memref<5000xi32, #tpu.memory_space<vmem>>, %arg12: memref<5000xi32, #tpu.memory_space<vmem>>, %arg13: memref<5000xf32, #tpu.memory_space<vmem>>, %arg14: memref<5000xf32, #tpu.memory_space<vmem>>, %arg15: memref<5000xf32, #tpu.memory_space<vmem>>, %arg16: memref<5000xf32, #tpu.memory_space<vmem>>, %arg17: memref<5000xf32, #tpu.memory_space<vmem>>, %arg18: memref<5000xf32, #tpu.memory_space<vmem>>, %arg19: memref<6400xf32, #tpu.memory_space<vmem>>, %arg20: memref<102400xf32, #tpu.memory_space<vmem_shared>>, %arg21: memref<102400xf32, #tpu.memory_space<vmem_shared>>, %arg22: memref<102400xf32, #tpu.memory_space<vmem_shared>>, %arg23: memref<102400xf32, #tpu.memory_space<vmem_shared>>, %arg24: memref<!tpu.dma_semaphore, #tpu.memory_space<semaphore_mem>>, %arg25: memref<!tpu.dma_semaphore, #tpu.memory_space<semaphore_mem>>, %arg26: memref<!tpu.dma_semaphore, #tpu.memory_space<semaphore_mem>>, %arg27: memref<!tpu.dma_semaphore, #tpu.memory_space<semaphore_mem>>, %arg28: memref<!tpu.dma_semaphore, #tpu.memory_space<semaphore_mem>>, %arg29: memref<!tpu.dma_semaphore, #tpu.memory_space<semaphore_mem>>) attributes {dimension_semantics = [#tpu.dimension_semantics<core_parallel>, #tpu.dimension_semantics<subcore_parallel>], iteration_bounds = array<i64: 2, 16>, scalar_prefetch = 0 : i64, scratch_operands = 21 : i64, tpu.core_type = #tpu.core_type<sc_vector_subcore>, window_params = [{transform_indices = #map}, {transform_indices = #map}, {transform_indices = #map}, {transform_indices = #map}, {transform_indices = #map}, {transform_indices = #map}, {transform_indices = #map1}]} {
    %mul3A = arith.constant 2 : i32
    %mul3A_0 = arith.muli %arg1, %mul3A : i32
    %add3A = arith.addi %mul3A_0, %arg0 : i32
    %mul3A_1 = arith.constant 6400 : i32
    %mul3A_2 = arith.muli %arg1, %mul3A_1 : i32
    %parallel_loop3A = arith.constant 0 : i32
    %parallel_loop3A_3 = arith.constant 6400 : i32
    %parallel_loop3A_4 = arith.constant 16 : i32
    scf.for %parallel_loop3A_24 = %parallel_loop3A to %parallel_loop3A_3 step %parallel_loop3A_4  : i32 {
      %parallel_loop3A_25 = arith.constant 0.000000e+00 : f32
      %parallel_loop3A_26 = vector.broadcast %parallel_loop3A_25 : f32 to vector<16xf32>
      %parallel_loop3A_27 = arith.index_cast %parallel_loop3A_24 : i32 to index
      %parallel_loop3A_28 = tpu.vector_load %arg19[%parallel_loop3A_27] {strides = array<i32>} : memref<6400xf32, #tpu.memory_space<vmem>>, vector<16xf32>,
      %parallel_loop3A_29 = vector.shape_cast %parallel_loop3A_28 : vector<16xf32> to vector<16xf32>
      %parallel_loop3A_30 = vector.shape_cast %parallel_loop3A_26 : vector<16xf32> to vector<16xf32>
      tpu.vector_store %arg19[%parallel_loop3A_27], %parallel_loop3A_30 {strides = array<i32>} : memref<6400xf32, #tpu.memory_space<vmem>>, vector<16xf32>,
    } {sc.loop_unroll_factor = 8 : i64, sc.parallel_access}
    "tpu.region"() ({
      %run_scoped3A_24 = tpu.sem_alloc : memref<!tpu.dma_semaphore, #tpu.memory_space<semaphore_mem>>
      %dma_start3A_25 = tpu.memref_slice %arg22[%mul3A_2] : memref<102400xf32, #tpu.memory_space<vmem_shared>> -> memref<6400xf32, #tpu.memory_space<vmem_shared>>
      %dma_start3A_26 = tpu.memref_slice %arg22[%mul3A_2] : memref<102400xf32, #tpu.memory_space<vmem_shared>> -> memref<6400xf32, #tpu.memory_space<vmem_shared>>
      tpu.enqueue_dma source(%arg19 : memref<6400xf32, #tpu.memory_space<vmem>>) target(%dma_start3A_26 : memref<6400xf32, #tpu.memory_space<vmem_shared>>) target_semaphore(%run_scoped3A_24 : memref<!tpu.dma_semaphore, #tpu.memory_space<semaphore_mem>>)
      %dma_wait3A = tpu.memref_slice %arg22[%mul3A_2] : memref<102400xf32, #tpu.memory_space<vmem_shared>> -> memref<6400xf32, #tpu.memory_space<vmem_shared>>
      %dma_wait3A_27 = tpu.memref_slice %arg22[%mul3A_2] : memref<102400xf32, #tpu.memory_space<vmem_shared>> -> memref<6400xf32, #tpu.memory_space<vmem_shared>>
      tpu.wait_dma2 semaphore(%run_scoped3A_24 : memref<!tpu.dma_semaphore, #tpu.memory_space<semaphore_mem>>) src(%arg19 : memref<6400xf32, #tpu.memory_space<vmem>>) dst(%dma_wait3A_27 : memref<6400xf32, #tpu.memory_space<vmem_shared>>)
      tpu.yield
    }) : () -> ()
    "tpu.region"() ({
      %run_scoped3A_24 = tpu.sem_alloc : memref<!tpu.dma_semaphore, #tpu.memory_space<semaphore_mem>>
      %dma_start3A_25 = tpu.memref_slice %arg23[%mul3A_2] : memref<102400xf32, #tpu.memory_space<vmem_shared>> -> memref<6400xf32, #tpu.memory_space<vmem_shared>>
      %dma_start3A_26 = tpu.memref_slice %arg23[%mul3A_2] : memref<102400xf32, #tpu.memory_space<vmem_shared>> -> memref<6400xf32, #tpu.memory_space<vmem_shared>>
      tpu.enqueue_dma source(%arg19 : memref<6400xf32, #tpu.memory_space<vmem>>) target(%dma_start3A_26 : memref<6400xf32, #tpu.memory_space<vmem_shared>>) target_semaphore(%run_scoped3A_24 : memref<!tpu.dma_semaphore, #tpu.memory_space<semaphore_mem>>)
      %dma_wait3A = tpu.memref_slice %arg23[%mul3A_2] : memref<102400xf32, #tpu.memory_space<vmem_shared>> -> memref<6400xf32, #tpu.memory_space<vmem_shared>>
      %dma_wait3A_27 = tpu.memref_slice %arg23[%mul3A_2] : memref<102400xf32, #tpu.memory_space<vmem_shared>> -> memref<6400xf32, #tpu.memory_space<vmem_shared>>
      tpu.wait_dma2 semaphore(%run_scoped3A_24 : memref<!tpu.dma_semaphore, #tpu.memory_space<semaphore_mem>>) src(%arg19 : memref<6400xf32, #tpu.memory_space<vmem>>) dst(%dma_wait3A_27 : memref<6400xf32, #tpu.memory_space<vmem_shared>>)
      tpu.yield
    }) : () -> ()
    "tpu.region"() ({
      %run_scoped3A_24 = tpu.sem_alloc : memref<!tpu.dma_semaphore, #tpu.memory_space<semaphore_mem>>
      %dma_start3A_25 = tpu.memref_slice %arg20[%mul3A_2] : memref<102400xf32, #tpu.memory_space<vmem_shared>> -> memref<6400xf32, #tpu.memory_space<vmem_shared>>
      %dma_start3A_26 = tpu.memref_slice %arg4[%mul3A_2] : memref<102400xf32, #tpu.memory_space<hbm>> -> memref<6400xf32, #tpu.memory_space<hbm>>
      tpu.enqueue_dma source(%dma_start3A_26 : memref<6400xf32, #tpu.memory_space<hbm>>) target(%dma_start3A_25 : memref<6400xf32, #tpu.memory_space<vmem_shared>>) target_semaphore(%run_scoped3A_24 : memref<!tpu.dma_semaphore, #tpu.memory_space<semaphore_mem>>)
      %dma_wait3A = tpu.memref_slice %arg20[%mul3A_2] : memref<102400xf32, #tpu.memory_space<vmem_shared>> -> memref<6400xf32, #tpu.memory_space<vmem_shared>>
      %dma_wait3A_27 = tpu.memref_slice %arg4[%mul3A_2] : memref<102400xf32, #tpu.memory_space<hbm>> -> memref<6400xf32, #tpu.memory_space<hbm>>
      tpu.wait_dma2 semaphore(%run_scoped3A_24 : memref<!tpu.dma_semaphore, #tpu.memory_space<semaphore_mem>>) src(%dma_wait3A_27 : memref<6400xf32, #tpu.memory_space<hbm>>) dst(%dma_wait3A : memref<6400xf32, #tpu.memory_space<vmem_shared>>)
      tpu.yield
    }) : () -> ()
    "tpu.region"() ({
      %run_scoped3A_24 = tpu.sem_alloc : memref<!tpu.dma_semaphore, #tpu.memory_space<semaphore_mem>>
      %dma_start3A_25 = tpu.memref_slice %arg21[%mul3A_2] : memref<102400xf32, #tpu.memory_space<vmem_shared>> -> memref<6400xf32, #tpu.memory_space<vmem_shared>>
      %dma_start3A_26 = tpu.memref_slice %arg5[%mul3A_2] : memref<102400xf32, #tpu.memory_space<hbm>> -> memref<6400xf32, #tpu.memory_space<hbm>>
      tpu.enqueue_dma source(%dma_start3A_26 : memref<6400xf32, #tpu.memory_space<hbm>>) target(%dma_start3A_25 : memref<6400xf32, #tpu.memory_space<vmem_shared>>) target_semaphore(%run_scoped3A_24 : memref<!tpu.dma_semaphore, #tpu.memory_space<semaphore_mem>>)
      %dma_wait3A = tpu.memref_slice %arg21[%mul3A_2] : memref<102400xf32, #tpu.memory_space<vmem_shared>> -> memref<6400xf32, #tpu.memory_space<vmem_shared>>
      %dma_wait3A_27 = tpu.memref_slice %arg5[%mul3A_2] : memref<102400xf32, #tpu.memory_space<hbm>> -> memref<6400xf32, #tpu.memory_space<hbm>>
      tpu.wait_dma2 semaphore(%run_scoped3A_24 : memref<!tpu.dma_semaphore, #tpu.memory_space<semaphore_mem>>) src(%dma_wait3A_27 : memref<6400xf32, #tpu.memory_space<hbm>>) dst(%dma_wait3A : memref<6400xf32, #tpu.memory_space<vmem_shared>>)
      tpu.yield
    }) : () -> ()
    %barrier3A = arith.constant 0 : index
    tpu.barrier barrier_id(%barrier3A)
    %mul3A_5 = arith.constant 200000 : i32
    %mul3A_6 = arith.muli %add3A, %mul3A_5 : i32
    %add3A_7 = arith.constant 0 : i32
    %add3A_8 = arith.addi %mul3A_6, %add3A_7 : i32
    %dma_start3A = tpu.memref_slice %arg2[%add3A_8] : memref<6400000xi32, #tpu.memory_space<hbm>> -> memref<5000xi32, #tpu.memory_space<hbm>>
    %dma_start3A_9 = tpu.memref_slice %arg2[%add3A_8] : memref<6400000xi32, #tpu.memory_space<hbm>> -> memref<5000xi32, #tpu.memory_space<hbm>>
    tpu.enqueue_dma source(%dma_start3A_9 : memref<5000xi32, #tpu.memory_space<hbm>>) target(%arg9 : memref<5000xi32, #tpu.memory_space<vmem>>) target_semaphore(%arg26 : memref<!tpu.dma_semaphore, #tpu.memory_space<semaphore_mem>>)
    %dma_start3A_10 = tpu.memref_slice %arg3[%add3A_8] : memref<6400000xi32, #tpu.memory_space<hbm>> -> memref<5000xi32, #tpu.memory_space<hbm>>
    %dma_start3A_11 = tpu.memref_slice %arg3[%add3A_8] : memref<6400000xi32, #tpu.memory_space<hbm>> -> memref<5000xi32, #tpu.memory_space<hbm>>
    tpu.enqueue_dma source(%dma_start3A_11 : memref<5000xi32, #tpu.memory_space<hbm>>) target(%arg11 : memref<5000xi32, #tpu.memory_space<vmem>>) target_semaphore(%arg27 : memref<!tpu.dma_semaphore, #tpu.memory_space<semaphore_mem>>)
    %dma_start3A_12 = tpu.memref_slice %arg6[%add3A_8] : memref<6400000xf32, #tpu.memory_space<hbm>> -> memref<5000xf32, #tpu.memory_space<hbm>>
    %dma_start3A_13 = tpu.memref_slice %arg6[%add3A_8] : memref<6400000xf32, #tpu.memory_space<hbm>> -> memref<5000xf32, #tpu.memory_space<hbm>>
    tpu.enqueue_dma source(%dma_start3A_13 : memref<5000xf32, #tpu.memory_space<hbm>>) target(%arg13 : memref<5000xf32, #tpu.memory_space<vmem>>) target_semaphore(%arg28 : memref<!tpu.dma_semaphore, #tpu.memory_space<semaphore_mem>>)
    %dma_start3A_14 = tpu.memref_slice %arg7[%add3A_8] : memref<6400000xf32, #tpu.memory_space<hbm>> -> memref<5000xf32, #tpu.memory_space<hbm>>
    %dma_start3A_15 = tpu.memref_slice %arg7[%add3A_8] : memref<6400000xf32, #tpu.memory_space<hbm>> -> memref<5000xf32, #tpu.memory_space<hbm>>
    tpu.enqueue_dma source(%dma_start3A_15 : memref<5000xf32, #tpu.memory_space<hbm>>) target(%arg15 : memref<5000xf32, #tpu.memory_space<vmem>>) target_semaphore(%arg29 : memref<!tpu.dma_semaphore, #tpu.memory_space<semaphore_mem>>)
    %scan3A = arith.constant 0 : i32
    %scan3A_16 = arith.constant 0 : i32
    %scan3A_17 = arith.constant 20 : i32
    %scan3A_18 = arith.addi %scan3A_16, %scan3A_17 : i32
    %scan3A_19 = arith.constant 1 : i32
    %scan3A_20 = scf.for %scan3A_24 = %scan3A_16 to %scan3A_18 step %scan3A_19 iter_args(%scan3A_25 = %scan3A) -> (i32)  : i32 {
      %mul3A_26 = arith.constant 2 : i32
      %mul3A_27 = arith.muli %mul3A_26, %scan3A_24 : i32
      %mul3A_28 = arith.constant 5000 : i32
      %mul3A_29 = arith.muli %mul3A_27, %mul3A_28 : i32
      %add3A_30 = arith.addi %mul3A_6, %mul3A_29 : i32
      %dma_wait3A = tpu.memref_slice %arg2[%add3A_30] : memref<6400000xi32, #tpu.memory_space<hbm>> -> memref<5000xi32, #tpu.memory_space<hbm>>
      %dma_wait3A_31 = tpu.memref_slice %arg2[%add3A_30] : memref<6400000xi32, #tpu.memory_space<hbm>> -> memref<5000xi32, #tpu.memory_space<hbm>>
      tpu.wait_dma2 semaphore(%arg26 : memref<!tpu.dma_semaphore, #tpu.memory_space<semaphore_mem>>) src(%dma_wait3A_31 : memref<5000xi32, #tpu.memory_space<hbm>>) dst(%arg9 : memref<5000xi32, #tpu.memory_space<vmem>>)
      %dma_wait3A_32 = tpu.memref_slice %arg3[%add3A_30] : memref<6400000xi32, #tpu.memory_space<hbm>> -> memref<5000xi32, #tpu.memory_space<hbm>>
      %dma_wait3A_33 = tpu.memref_slice %arg3[%add3A_30] : memref<6400000xi32, #tpu.memory_space<hbm>> -> memref<5000xi32, #tpu.memory_space<hbm>>
      tpu.wait_dma2 semaphore(%arg27 : memref<!tpu.dma_semaphore, #tpu.memory_space<semaphore_mem>>) src(%dma_wait3A_33 : memref<5000xi32, #tpu.memory_space<hbm>>) dst(%arg11 : memref<5000xi32, #tpu.memory_space<vmem>>)
      %dma_wait3A_34 = tpu.memref_slice %arg6[%add3A_30] : memref<6400000xf32, #tpu.memory_space<hbm>> -> memref<5000xf32, #tpu.memory_space<hbm>>
      %dma_wait3A_35 = tpu.memref_slice %arg6[%add3A_30] : memref<6400000xf32, #tpu.memory_space<hbm>> -> memref<5000xf32, #tpu.memory_space<hbm>>
      tpu.wait_dma2 semaphore(%arg28 : memref<!tpu.dma_semaphore, #tpu.memory_space<semaphore_mem>>) src(%dma_wait3A_35 : memref<5000xf32, #tpu.memory_space<hbm>>) dst(%arg13 : memref<5000xf32, #tpu.memory_space<vmem>>)
      %dma_wait3A_36 = tpu.memref_slice %arg7[%add3A_30] : memref<6400000xf32, #tpu.memory_space<hbm>> -> memref<5000xf32, #tpu.memory_space<hbm>>
      %dma_wait3A_37 = tpu.memref_slice %arg7[%add3A_30] : memref<6400000xf32, #tpu.memory_space<hbm>> -> memref<5000xf32, #tpu.memory_space<hbm>>
      tpu.wait_dma2 semaphore(%arg29 : memref<!tpu.dma_semaphore, #tpu.memory_space<semaphore_mem>>) src(%dma_wait3A_37 : memref<5000xf32, #tpu.memory_space<hbm>>) dst(%arg15 : memref<5000xf32, #tpu.memory_space<vmem>>)
      %add3A_38 = arith.constant 1 : i32
      %add3A_39 = arith.addi %mul3A_27, %add3A_38 : i32
      %lt3A = arith.constant 40 : i32
      %lt3A_40 = arith.cmpi slt, %add3A_39, %lt3A : i32
      %convert_element_type3A = arith.extui %lt3A_40 : i1 to i32
      %cond3A = arith.constant 0 : i32
      %cond3A_41 = arith.cmpi ne, %convert_element_type3A, %cond3A : i32
      scf.if %cond3A_41 {
        %add3A_87 = arith.constant 1 : i32
        %add3A_88 = arith.addi %mul3A_27, %add3A_87 : i32
        %mul3A_89 = arith.constant 5000 : i32
        %mul3A_90 = arith.muli %add3A_88, %mul3A_89 : i32
        %add3A_91 = arith.addi %mul3A_6, %mul3A_90 : i32
        %dma_start3A_92 = tpu.memref_slice %arg2[%add3A_91] : memref<6400000xi32, #tpu.memory_space<hbm>> -> memref<5000xi32, #tpu.memory_space<hbm>>
        %dma_start3A_93 = tpu.memref_slice %arg2[%add3A_91] : memref<6400000xi32, #tpu.memory_space<hbm>> -> memref<5000xi32, #tpu.memory_space<hbm>>
        tpu.enqueue_dma source(%dma_start3A_93 : memref<5000xi32, #tpu.memory_space<hbm>>) target(%arg10 : memref<5000xi32, #tpu.memory_space<vmem>>) target_semaphore(%arg26 : memref<!tpu.dma_semaphore, #tpu.memory_space<semaphore_mem>>)
        %dma_start3A_94 = tpu.memref_slice %arg3[%add3A_91] : memref<6400000xi32, #tpu.memory_space<hbm>> -> memref<5000xi32, #tpu.memory_space<hbm>>
        %dma_start3A_95 = tpu.memref_slice %arg3[%add3A_91] : memref<6400000xi32, #tpu.memory_space<hbm>> -> memref<5000xi32, #tpu.memory_space<hbm>>
        tpu.enqueue_dma source(%dma_start3A_95 : memref<5000xi32, #tpu.memory_space<hbm>>) target(%arg12 : memref<5000xi32, #tpu.memory_space<vmem>>) target_semaphore(%arg27 : memref<!tpu.dma_semaphore, #tpu.memory_space<semaphore_mem>>)
        %dma_start3A_96 = tpu.memref_slice %arg6[%add3A_91] : memref<6400000xf32, #tpu.memory_space<hbm>> -> memref<5000xf32, #tpu.memory_space<hbm>>
        %dma_start3A_97 = tpu.memref_slice %arg6[%add3A_91] : memref<6400000xf32, #tpu.memory_space<hbm>> -> memref<5000xf32, #tpu.memory_space<hbm>>
        tpu.enqueue_dma source(%dma_start3A_97 : memref<5000xf32, #tpu.memory_space<hbm>>) target(%arg14 : memref<5000xf32, #tpu.memory_space<vmem>>) target_semaphore(%arg28 : memref<!tpu.dma_semaphore, #tpu.memory_space<semaphore_mem>>)
        %dma_start3A_98 = tpu.memref_slice %arg7[%add3A_91] : memref<6400000xf32, #tpu.memory_space<hbm>> -> memref<5000xf32, #tpu.memory_space<hbm>>
        %dma_start3A_99 = tpu.memref_slice %arg7[%add3A_91] : memref<6400000xf32, #tpu.memory_space<hbm>> -> memref<5000xf32, #tpu.memory_space<hbm>>
        tpu.enqueue_dma source(%dma_start3A_99 : memref<5000xf32, #tpu.memory_space<hbm>>) target(%arg16 : memref<5000xf32, #tpu.memory_space<vmem>>) target_semaphore(%arg29 : memref<!tpu.dma_semaphore, #tpu.memory_space<semaphore_mem>>)
      } else {
      }
      %dma_start3A_42 = arith.constant 0 : i32
      %dma_start3A_43 = tpu.memref_slice %arg20[%dma_start3A_42] : memref<102400xf32, #tpu.memory_space<vmem_shared>> -> memref<102400xf32, #tpu.memory_space<vmem_shared>>
      tpu.enqueue_indirect_dma source(%dma_start3A_43 : memref<102400xf32, #tpu.memory_space<vmem_shared>>) target(%arg17 : memref<5000xf32, #tpu.memory_space<vmem>>) offsets(%arg9 : memref<5000xi32, #tpu.memory_space<vmem>>) semaphore(%arg24 : memref<!tpu.dma_semaphore, #tpu.memory_space<semaphore_mem>>)
      %dma_start3A_44 = arith.constant 0 : i32
      %dma_start3A_45 = tpu.memref_slice %arg21[%dma_start3A_44] : memref<102400xf32, #tpu.memory_space<vmem_shared>> -> memref<102400xf32, #tpu.memory_space<vmem_shared>>
      tpu.enqueue_indirect_dma source(%dma_start3A_45 : memref<102400xf32, #tpu.memory_space<vmem_shared>>) target(%arg18 : memref<5000xf32, #tpu.memory_space<vmem>>) offsets(%arg9 : memref<5000xi32, #tpu.memory_space<vmem>>) semaphore(%arg25 : memref<!tpu.dma_semaphore, #tpu.memory_space<semaphore_mem>>)
      %dma_wait3A_46 = arith.constant 0 : i32
      %dma_wait3A_47 = tpu.memref_slice %arg20[%dma_wait3A_46] : memref<102400xf32, #tpu.memory_space<vmem_shared>> -> memref<102400xf32, #tpu.memory_space<vmem_shared>>
      tpu.wait_indirect_dma semaphore(%arg24 : memref<!tpu.dma_semaphore, #tpu.memory_space<semaphore_mem>>) src(%dma_wait3A_47 : memref<102400xf32, #tpu.memory_space<vmem_shared>>) dst(%arg17 : memref<5000xf32, #tpu.memory_space<vmem>>)
      %dma_wait3A_48 = arith.constant 0 : i32
      %dma_wait3A_49 = tpu.memref_slice %arg21[%dma_wait3A_48] : memref<102400xf32, #tpu.memory_space<vmem_shared>> -> memref<102400xf32, #tpu.memory_space<vmem_shared>>
      tpu.wait_indirect_dma semaphore(%arg25 : memref<!tpu.dma_semaphore, #tpu.memory_space<semaphore_mem>>) src(%dma_wait3A_49 : memref<102400xf32, #tpu.memory_space<vmem_shared>>) dst(%arg18 : memref<5000xf32, #tpu.memory_space<vmem>>)
      %parallel_loop3A_50 = arith.constant 0 : i32
      %parallel_loop3A_51 = arith.constant 5000 : i32
      %parallel_loop3A_52 = arith.constant 16 : i32
      scf.for %parallel_loop3A_87 = %parallel_loop3A_50 to %parallel_loop3A_51 step %parallel_loop3A_52  : i32 {
        %parallel_loop3A_88 = arith.index_cast %parallel_loop3A_87 : i32 to index
        %parallel_loop3A_89 = tpu.vector_load %arg17[%parallel_loop3A_88] {strides = array<i32>} : memref<5000xf32, #tpu.memory_space<vmem>>, vector<16xf32>,
        %parallel_loop3A_90 = vector.shape_cast %parallel_loop3A_89 : vector<16xf32> to vector<16xf32>
        %parallel_loop3A_91 = arith.index_cast %parallel_loop3A_87 : i32 to index
        %parallel_loop3A_92 = tpu.vector_load %arg13[%parallel_loop3A_91] {strides = array<i32>} : memref<5000xf32, #tpu.memory_space<vmem>>, vector<16xf32>,
        %parallel_loop3A_93 = vector.shape_cast %parallel_loop3A_92 : vector<16xf32> to vector<16xf32>
        %parallel_loop3A_94 = arith.mulf %parallel_loop3A_90, %parallel_loop3A_93 : vector<16xf32>
        %parallel_loop3A_95 = arith.index_cast %parallel_loop3A_87 : i32 to index
        %parallel_loop3A_96 = tpu.vector_load %arg17[%parallel_loop3A_95] {strides = array<i32>} : memref<5000xf32, #tpu.memory_space<vmem>>, vector<16xf32>,
        %parallel_loop3A_97 = vector.shape_cast %parallel_loop3A_96 : vector<16xf32> to vector<16xf32>
        %parallel_loop3A_98 = vector.shape_cast %parallel_loop3A_94 : vector<16xf32> to vector<16xf32>
        tpu.vector_store %arg17[%parallel_loop3A_95], %parallel_loop3A_98 {strides = array<i32>} : memref<5000xf32, #tpu.memory_space<vmem>>, vector<16xf32>,
        %parallel_loop3A_99 = arith.index_cast %parallel_loop3A_87 : i32 to index
        %parallel_loop3A_100 = tpu.vector_load %arg18[%parallel_loop3A_99] {strides = array<i32>} : memref<5000xf32, #tpu.memory_space<vmem>>, vector<16xf32>,
        %parallel_loop3A_101 = vector.shape_cast %parallel_loop3A_100 : vector<16xf32> to vector<16xf32>
        %parallel_loop3A_102 = arith.index_cast %parallel_loop3A_87 : i32 to index
        %parallel_loop3A_103 = tpu.vector_load %arg15[%parallel_loop3A_102] {strides = array<i32>} : memref<5000xf32, #tpu.memory_space<vmem>>, vector<16xf32>,
        %parallel_loop3A_104 = vector.shape_cast %parallel_loop3A_103 : vector<16xf32> to vector<16xf32>
        %parallel_loop3A_105 = arith.mulf %parallel_loop3A_101, %parallel_loop3A_104 : vector<16xf32>
        %parallel_loop3A_106 = arith.index_cast %parallel_loop3A_87 : i32 to index
        %parallel_loop3A_107 = tpu.vector_load %arg18[%parallel_loop3A_106] {strides = array<i32>} : memref<5000xf32, #tpu.memory_space<vmem>>, vector<16xf32>,
        %parallel_loop3A_108 = vector.shape_cast %parallel_loop3A_107 : vector<16xf32> to vector<16xf32>
        %parallel_loop3A_109 = vector.shape_cast %parallel_loop3A_105 : vector<16xf32> to vector<16xf32>
        tpu.vector_store %arg18[%parallel_loop3A_106], %parallel_loop3A_109 {strides = array<i32>} : memref<5000xf32, #tpu.memory_space<vmem>>, vector<16xf32>,
      } {sc.loop_unroll_factor = 8 : i64, sc.parallel_access}
      "tpu.region"() ({
        %run_scoped3A_87 = tpu.sem_alloc : memref<!tpu.dma_semaphore, #tpu.memory_space<semaphore_mem>>
        %dma_start3A_88 = arith.constant 0 : i32
        %dma_start3A_89 = tpu.memref_slice %arg22[%dma_start3A_88] : memref<102400xf32, #tpu.memory_space<vmem_shared>> -> memref<102400xf32, #tpu.memory_space<vmem_shared>>
        tpu.enqueue_indirect_dma source(%arg17 : memref<5000xf32, #tpu.memory_space<vmem>>) target(%dma_start3A_89 : memref<102400xf32, #tpu.memory_space<vmem_shared>>) offsets(%arg11 : memref<5000xi32, #tpu.memory_space<vmem>>) semaphore(%run_scoped3A_87 : memref<!tpu.dma_semaphore, #tpu.memory_space<semaphore_mem>>) {add = true}
        %dma_wait3A_90 = arith.constant 0 : i32
        %dma_wait3A_91 = tpu.memref_slice %arg22[%dma_wait3A_90] : memref<102400xf32, #tpu.memory_space<vmem_shared>> -> memref<102400xf32, #tpu.memory_space<vmem_shared>>
        tpu.wait_indirect_dma semaphore(%run_scoped3A_87 : memref<!tpu.dma_semaphore, #tpu.memory_space<semaphore_mem>>) src(%arg17 : memref<5000xf32, #tpu.memory_space<vmem>>) dst(%dma_wait3A_91 : memref<102400xf32, #tpu.memory_space<vmem_shared>>)
        tpu.yield
      }) : () -> ()
      "tpu.region"() ({
        %run_scoped3A_87 = tpu.sem_alloc : memref<!tpu.dma_semaphore, #tpu.memory_space<semaphore_mem>>
        %dma_start3A_88 = arith.constant 0 : i32
        %dma_start3A_89 = tpu.memref_slice %arg23[%dma_start3A_88] : memref<102400xf32, #tpu.memory_space<vmem_shared>> -> memref<102400xf32, #tpu.memory_space<vmem_shared>>
        tpu.enqueue_indirect_dma source(%arg18 : memref<5000xf32, #tpu.memory_space<vmem>>) target(%dma_start3A_89 : memref<102400xf32, #tpu.memory_space<vmem_shared>>) offsets(%arg11 : memref<5000xi32, #tpu.memory_space<vmem>>) semaphore(%run_scoped3A_87 : memref<!tpu.dma_semaphore, #tpu.memory_space<semaphore_mem>>) {add = true}
        %dma_wait3A_90 = arith.constant 0 : i32
        %dma_wait3A_91 = tpu.memref_slice %arg23[%dma_wait3A_90] : memref<102400xf32, #tpu.memory_space<vmem_shared>> -> memref<102400xf32, #tpu.memory_space<vmem_shared>>
        tpu.wait_indirect_dma semaphore(%run_scoped3A_87 : memref<!tpu.dma_semaphore, #tpu.memory_space<semaphore_mem>>) src(%arg18 : memref<5000xf32, #tpu.memory_space<vmem>>) dst(%dma_wait3A_91 : memref<102400xf32, #tpu.memory_space<vmem_shared>>)
        tpu.yield
      }) : () -> ()
      %mul3A_53 = arith.constant 2 : i32
      %mul3A_54 = arith.muli %mul3A_53, %scan3A_24 : i32
      %add3A_55 = arith.constant 1 : i32
      %add3A_56 = arith.addi %mul3A_54, %add3A_55 : i32
      %mul3A_57 = arith.constant 5000 : i32
      %mul3A_58 = arith.muli %add3A_56, %mul3A_57 : i32
      %add3A_59 = arith.addi %mul3A_6, %mul3A_58 : i32
      %dma_wait3A_60 = tpu.memref_slice %arg2[%add3A_59] : memref<6400000xi32, #tpu.memory_space<hbm>> -> memref<5000xi32, #tpu.memory_space<hbm>>
      %dma_wait3A_61 = tpu.memref_slice %arg2[%add3A_59] : memref<6400000xi32, #tpu.memory_space<hbm>> -> memref<5000xi32, #tpu.memory_space<hbm>>
      tpu.wait_dma2 semaphore(%arg26 : memref<!tpu.dma_semaphore, #tpu.memory_space<semaphore_mem>>) src(%dma_wait3A_61 : memref<5000xi32, #tpu.memory_space<hbm>>) dst(%arg10 : memref<5000xi32, #tpu.memory_space<vmem>>)
      %dma_wait3A_62 = tpu.memref_slice %arg3[%add3A_59] : memref<6400000xi32, #tpu.memory_space<hbm>> -> memref<5000xi32, #tpu.memory_space<hbm>>
      %dma_wait3A_63 = tpu.memref_slice %arg3[%add3A_59] : memref<6400000xi32, #tpu.memory_space<hbm>> -> memref<5000xi32, #tpu.memory_space<hbm>>
      tpu.wait_dma2 semaphore(%arg27 : memref<!tpu.dma_semaphore, #tpu.memory_space<semaphore_mem>>) src(%dma_wait3A_63 : memref<5000xi32, #tpu.memory_space<hbm>>) dst(%arg12 : memref<5000xi32, #tpu.memory_space<vmem>>)
      %dma_wait3A_64 = tpu.memref_slice %arg6[%add3A_59] : memref<6400000xf32, #tpu.memory_space<hbm>> -> memref<5000xf32, #tpu.memory_space<hbm>>
      %dma_wait3A_65 = tpu.memref_slice %arg6[%add3A_59] : memref<6400000xf32, #tpu.memory_space<hbm>> -> memref<5000xf32, #tpu.memory_space<hbm>>
      tpu.wait_dma2 semaphore(%arg28 : memref<!tpu.dma_semaphore, #tpu.memory_space<semaphore_mem>>) src(%dma_wait3A_65 : memref<5000xf32, #tpu.memory_space<hbm>>) dst(%arg14 : memref<5000xf32, #tpu.memory_space<vmem>>)
      %dma_wait3A_66 = tpu.memref_slice %arg7[%add3A_59] : memref<6400000xf32, #tpu.memory_space<hbm>> -> memref<5000xf32, #tpu.memory_space<hbm>>
      %dma_wait3A_67 = tpu.memref_slice %arg7[%add3A_59] : memref<6400000xf32, #tpu.memory_space<hbm>> -> memref<5000xf32, #tpu.memory_space<hbm>>
      tpu.wait_dma2 semaphore(%arg29 : memref<!tpu.dma_semaphore, #tpu.memory_space<semaphore_mem>>) src(%dma_wait3A_67 : memref<5000xf32, #tpu.memory_space<hbm>>) dst(%arg16 : memref<5000xf32, #tpu.memory_space<vmem>>)
      %add3A_68 = arith.constant 1 : i32
      %add3A_69 = arith.addi %add3A_56, %add3A_68 : i32
      %lt3A_70 = arith.constant 40 : i32
      %lt3A_71 = arith.cmpi slt, %add3A_69, %lt3A_70 : i32
      %convert_element_type3A_72 = arith.extui %lt3A_71 : i1 to i32
      %cond3A_73 = arith.constant 0 : i32
      %cond3A_74 = arith.cmpi ne, %convert_element_type3A_72, %cond3A_73 : i32
      scf.if %cond3A_74 {
        %add3A_87 = arith.constant 1 : i32
        %add3A_88 = arith.addi %add3A_56, %add3A_87 : i32
        %mul3A_89 = arith.constant 5000 : i32
        %mul3A_90 = arith.muli %add3A_88, %mul3A_89 : i32
        %add3A_91 = arith.addi %mul3A_6, %mul3A_90 : i32
        %dma_start3A_92 = tpu.memref_slice %arg2[%add3A_91] : memref<6400000xi32, #tpu.memory_space<hbm>> -> memref<5000xi32, #tpu.memory_space<hbm>>
        %dma_start3A_93 = tpu.memref_slice %arg2[%add3A_91] : memref<6400000xi32, #tpu.memory_space<hbm>> -> memref<5000xi32, #tpu.memory_space<hbm>>
        tpu.enqueue_dma source(%dma_start3A_93 : memref<5000xi32, #tpu.memory_space<hbm>>) target(%arg9 : memref<5000xi32, #tpu.memory_space<vmem>>) target_semaphore(%arg26 : memref<!tpu.dma_semaphore, #tpu.memory_space<semaphore_mem>>)
        %dma_start3A_94 = tpu.memref_slice %arg3[%add3A_91] : memref<6400000xi32, #tpu.memory_space<hbm>> -> memref<5000xi32, #tpu.memory_space<hbm>>
        %dma_start3A_95 = tpu.memref_slice %arg3[%add3A_91] : memref<6400000xi32, #tpu.memory_space<hbm>> -> memref<5000xi32, #tpu.memory_space<hbm>>
        tpu.enqueue_dma source(%dma_start3A_95 : memref<5000xi32, #tpu.memory_space<hbm>>) target(%arg11 : memref<5000xi32, #tpu.memory_space<vmem>>) target_semaphore(%arg27 : memref<!tpu.dma_semaphore, #tpu.memory_space<semaphore_mem>>)
        %dma_start3A_96 = tpu.memref_slice %arg6[%add3A_91] : memref<6400000xf32, #tpu.memory_space<hbm>> -> memref<5000xf32, #tpu.memory_space<hbm>>
        %dma_start3A_97 = tpu.memref_slice %arg6[%add3A_91] : memref<6400000xf32, #tpu.memory_space<hbm>> -> memref<5000xf32, #tpu.memory_space<hbm>>
        tpu.enqueue_dma source(%dma_start3A_97 : memref<5000xf32, #tpu.memory_space<hbm>>) target(%arg13 : memref<5000xf32, #tpu.memory_space<vmem>>) target_semaphore(%arg28 : memref<!tpu.dma_semaphore, #tpu.memory_space<semaphore_mem>>)
        %dma_start3A_98 = tpu.memref_slice %arg7[%add3A_91] : memref<6400000xf32, #tpu.memory_space<hbm>> -> memref<5000xf32, #tpu.memory_space<hbm>>
        %dma_start3A_99 = tpu.memref_slice %arg7[%add3A_91] : memref<6400000xf32, #tpu.memory_space<hbm>> -> memref<5000xf32, #tpu.memory_space<hbm>>
        tpu.enqueue_dma source(%dma_start3A_99 : memref<5000xf32, #tpu.memory_space<hbm>>) target(%arg15 : memref<5000xf32, #tpu.memory_space<vmem>>) target_semaphore(%arg29 : memref<!tpu.dma_semaphore, #tpu.memory_space<semaphore_mem>>)
      } else {
      }
      %dma_start3A_75 = arith.constant 0 : i32
      %dma_start3A_76 = tpu.memref_slice %arg20[%dma_start3A_75] : memref<102400xf32, #tpu.memory_space<vmem_shared>> -> memref<102400xf32, #tpu.memory_space<vmem_shared>>
      tpu.enqueue_indirect_dma source(%dma_start3A_76 : memref<102400xf32, #tpu.memory_space<vmem_shared>>) target(%arg17 : memref<5000xf32, #tpu.memory_space<vmem>>) offsets(%arg10 : memref<5000xi32, #tpu.memory_space<vmem>>) semaphore(%arg24 : memref<!tpu.dma_semaphore, #tpu.memory_space<semaphore_mem>>)
      %dma_start3A_77 = arith.constant 0 : i32
      %dma_start3A_78 = tpu.memref_slice %arg21[%dma_start3A_77] : memref<102400xf32, #tpu.memory_space<vmem_shared>> -> memref<102400xf32, #tpu.memory_space<vmem_shared>>
      tpu.enqueue_indirect_dma source(%dma_start3A_78 : memref<102400xf32, #tpu.memory_space<vmem_shared>>) target(%arg18 : memref<5000xf32, #tpu.memory_space<vmem>>) offsets(%arg10 : memref<5000xi32, #tpu.memory_space<vmem>>) semaphore(%arg25 : memref<!tpu.dma_semaphore, #tpu.memory_space<semaphore_mem>>)
      %dma_wait3A_79 = arith.constant 0 : i32
      %dma_wait3A_80 = tpu.memref_slice %arg20[%dma_wait3A_79] : memref<102400xf32, #tpu.memory_space<vmem_shared>> -> memref<102400xf32, #tpu.memory_space<vmem_shared>>
      tpu.wait_indirect_dma semaphore(%arg24 : memref<!tpu.dma_semaphore, #tpu.memory_space<semaphore_mem>>) src(%dma_wait3A_80 : memref<102400xf32, #tpu.memory_space<vmem_shared>>) dst(%arg17 : memref<5000xf32, #tpu.memory_space<vmem>>)
      %dma_wait3A_81 = arith.constant 0 : i32
      %dma_wait3A_82 = tpu.memref_slice %arg21[%dma_wait3A_81] : memref<102400xf32, #tpu.memory_space<vmem_shared>> -> memref<102400xf32, #tpu.memory_space<vmem_shared>>
      tpu.wait_indirect_dma semaphore(%arg25 : memref<!tpu.dma_semaphore, #tpu.memory_space<semaphore_mem>>) src(%dma_wait3A_82 : memref<102400xf32, #tpu.memory_space<vmem_shared>>) dst(%arg18 : memref<5000xf32, #tpu.memory_space<vmem>>)
      %parallel_loop3A_83 = arith.constant 0 : i32
      %parallel_loop3A_84 = arith.constant 5000 : i32
      %parallel_loop3A_85 = arith.constant 16 : i32
      scf.for %parallel_loop3A_87 = %parallel_loop3A_83 to %parallel_loop3A_84 step %parallel_loop3A_85  : i32 {
        %parallel_loop3A_88 = arith.index_cast %parallel_loop3A_87 : i32 to index
        %parallel_loop3A_89 = tpu.vector_load %arg17[%parallel_loop3A_88] {strides = array<i32>} : memref<5000xf32, #tpu.memory_space<vmem>>, vector<16xf32>,
        %parallel_loop3A_90 = vector.shape_cast %parallel_loop3A_89 : vector<16xf32> to vector<16xf32>
        %parallel_loop3A_91 = arith.index_cast %parallel_loop3A_87 : i32 to index
        %parallel_loop3A_92 = tpu.vector_load %arg14[%parallel_loop3A_91] {strides = array<i32>} : memref<5000xf32, #tpu.memory_space<vmem>>, vector<16xf32>,
        %parallel_loop3A_93 = vector.shape_cast %parallel_loop3A_92 : vector<16xf32> to vector<16xf32>
        %parallel_loop3A_94 = arith.mulf %parallel_loop3A_90, %parallel_loop3A_93 : vector<16xf32>
        %parallel_loop3A_95 = arith.index_cast %parallel_loop3A_87 : i32 to index
        %parallel_loop3A_96 = tpu.vector_load %arg17[%parallel_loop3A_95] {strides = array<i32>} : memref<5000xf32, #tpu.memory_space<vmem>>, vector<16xf32>,
        %parallel_loop3A_97 = vector.shape_cast %parallel_loop3A_96 : vector<16xf32> to vector<16xf32>
        %parallel_loop3A_98 = vector.shape_cast %parallel_loop3A_94 : vector<16xf32> to vector<16xf32>
        tpu.vector_store %arg17[%parallel_loop3A_95], %parallel_loop3A_98 {strides = array<i32>} : memref<5000xf32, #tpu.memory_space<vmem>>, vector<16xf32>,
        %parallel_loop3A_99 = arith.index_cast %parallel_loop3A_87 : i32 to index
        %parallel_loop3A_100 = tpu.vector_load %arg18[%parallel_loop3A_99] {strides = array<i32>} : memref<5000xf32, #tpu.memory_space<vmem>>, vector<16xf32>,
        %parallel_loop3A_101 = vector.shape_cast %parallel_loop3A_100 : vector<16xf32> to vector<16xf32>
        %parallel_loop3A_102 = arith.index_cast %parallel_loop3A_87 : i32 to index
        %parallel_loop3A_103 = tpu.vector_load %arg16[%parallel_loop3A_102] {strides = array<i32>} : memref<5000xf32, #tpu.memory_space<vmem>>, vector<16xf32>,
        %parallel_loop3A_104 = vector.shape_cast %parallel_loop3A_103 : vector<16xf32> to vector<16xf32>
        %parallel_loop3A_105 = arith.mulf %parallel_loop3A_101, %parallel_loop3A_104 : vector<16xf32>
        %parallel_loop3A_106 = arith.index_cast %parallel_loop3A_87 : i32 to index
        %parallel_loop3A_107 = tpu.vector_load %arg18[%parallel_loop3A_106] {strides = array<i32>} : memref<5000xf32, #tpu.memory_space<vmem>>, vector<16xf32>,
        %parallel_loop3A_108 = vector.shape_cast %parallel_loop3A_107 : vector<16xf32> to vector<16xf32>
        %parallel_loop3A_109 = vector.shape_cast %parallel_loop3A_105 : vector<16xf32> to vector<16xf32>
        tpu.vector_store %arg18[%parallel_loop3A_106], %parallel_loop3A_109 {strides = array<i32>} : memref<5000xf32, #tpu.memory_space<vmem>>, vector<16xf32>,
      } {sc.loop_unroll_factor = 8 : i64, sc.parallel_access}
      "tpu.region"() ({
        %run_scoped3A_87 = tpu.sem_alloc : memref<!tpu.dma_semaphore, #tpu.memory_space<semaphore_mem>>
        %dma_start3A_88 = arith.constant 0 : i32
        %dma_start3A_89 = tpu.memref_slice %arg22[%dma_start3A_88] : memref<102400xf32, #tpu.memory_space<vmem_shared>> -> memref<102400xf32, #tpu.memory_space<vmem_shared>>
        tpu.enqueue_indirect_dma source(%arg17 : memref<5000xf32, #tpu.memory_space<vmem>>) target(%dma_start3A_89 : memref<102400xf32, #tpu.memory_space<vmem_shared>>) offsets(%arg12 : memref<5000xi32, #tpu.memory_space<vmem>>) semaphore(%run_scoped3A_87 : memref<!tpu.dma_semaphore, #tpu.memory_space<semaphore_mem>>) {add = true}
        %dma_wait3A_90 = arith.constant 0 : i32
        %dma_wait3A_91 = tpu.memref_slice %arg22[%dma_wait3A_90] : memref<102400xf32, #tpu.memory_space<vmem_shared>> -> memref<102400xf32, #tpu.memory_space<vmem_shared>>
        tpu.wait_indirect_dma semaphore(%run_scoped3A_87 : memref<!tpu.dma_semaphore, #tpu.memory_space<semaphore_mem>>) src(%arg17 : memref<5000xf32, #tpu.memory_space<vmem>>) dst(%dma_wait3A_91 : memref<102400xf32, #tpu.memory_space<vmem_shared>>)
        tpu.yield
      }) : () -> ()
      "tpu.region"() ({
        %run_scoped3A_87 = tpu.sem_alloc : memref<!tpu.dma_semaphore, #tpu.memory_space<semaphore_mem>>
        %dma_start3A_88 = arith.constant 0 : i32
        %dma_start3A_89 = tpu.memref_slice %arg23[%dma_start3A_88] : memref<102400xf32, #tpu.memory_space<vmem_shared>> -> memref<102400xf32, #tpu.memory_space<vmem_shared>>
        tpu.enqueue_indirect_dma source(%arg18 : memref<5000xf32, #tpu.memory_space<vmem>>) target(%dma_start3A_89 : memref<102400xf32, #tpu.memory_space<vmem_shared>>) offsets(%arg12 : memref<5000xi32, #tpu.memory_space<vmem>>) semaphore(%run_scoped3A_87 : memref<!tpu.dma_semaphore, #tpu.memory_space<semaphore_mem>>) {add = true}
        %dma_wait3A_90 = arith.constant 0 : i32
        %dma_wait3A_91 = tpu.memref_slice %arg23[%dma_wait3A_90] : memref<102400xf32, #tpu.memory_space<vmem_shared>> -> memref<102400xf32, #tpu.memory_space<vmem_shared>>
        tpu.wait_indirect_dma semaphore(%run_scoped3A_87 : memref<!tpu.dma_semaphore, #tpu.memory_space<semaphore_mem>>) src(%arg18 : memref<5000xf32, #tpu.memory_space<vmem>>) dst(%dma_wait3A_91 : memref<102400xf32, #tpu.memory_space<vmem_shared>>)
        tpu.yield
      }) : () -> ()
      %scan3A_86 = arith.constant 0 : i32
      scf.yield %scan3A_86 : i32
    }
    %scan3A_21 = arith.constant 20 : i32
    %barrier3A_22 = arith.constant 0 : index
    tpu.barrier barrier_id(%barrier3A_22)
    %run_scoped3A = arith.constant 0 : i32
    "tpu.region"() ({
      %run_scoped3A_24 = tpu.sem_alloc : memref<!tpu.dma_semaphore, #tpu.memory_space<semaphore_mem>>
      %dma_start3A_25 = tpu.memref_slice %arg8[%arg0, %run_scoped3A, %mul3A_2] : memref<2x2x102400xf32, #tpu.memory_space<hbm>> -> memref<1x1x6400xf32, #tpu.memory_space<hbm>>
      %dma_start3A_26 = tpu.memref_squeeze %dma_start3A_25 : memref<1x1x6400xf32, #tpu.memory_space<hbm>> -> memref<6400xf32, #tpu.memory_space<hbm>>
      %dma_start3A_27 = tpu.memref_slice %arg22[%mul3A_2] : memref<102400xf32, #tpu.memory_space<vmem_shared>> -> memref<6400xf32, #tpu.memory_space<vmem_shared>>
      tpu.enqueue_dma source(%dma_start3A_27 : memref<6400xf32, #tpu.memory_space<vmem_shared>>) target(%dma_start3A_26 : memref<6400xf32, #tpu.memory_space<hbm>>) target_semaphore(%run_scoped3A_24 : memref<!tpu.dma_semaphore, #tpu.memory_space<semaphore_mem>>)
      %dma_wait3A = tpu.memref_slice %arg8[%arg0, %run_scoped3A, %mul3A_2] : memref<2x2x102400xf32, #tpu.memory_space<hbm>> -> memref<1x1x6400xf32, #tpu.memory_space<hbm>>
      %dma_wait3A_28 = tpu.memref_squeeze %dma_wait3A : memref<1x1x6400xf32, #tpu.memory_space<hbm>> -> memref<6400xf32, #tpu.memory_space<hbm>>
      %dma_wait3A_29 = tpu.memref_slice %arg22[%mul3A_2] : memref<102400xf32, #tpu.memory_space<vmem_shared>> -> memref<6400xf32, #tpu.memory_space<vmem_shared>>
      tpu.wait_dma2 semaphore(%run_scoped3A_24 : memref<!tpu.dma_semaphore, #tpu.memory_space<semaphore_mem>>) src(%dma_wait3A_29 : memref<6400xf32, #tpu.memory_space<vmem_shared>>) dst(%dma_wait3A_28 : memref<6400xf32, #tpu.memory_space<hbm>>)
      tpu.yield
    }) : () -> ()
    %run_scoped3A_23 = arith.constant 1 : i32
    "tpu.region"() ({
      %run_scoped3A_24 = tpu.sem_alloc : memref<!tpu.dma_semaphore, #tpu.memory_space<semaphore_mem>>
      %dma_start3A_25 = tpu.memref_slice %arg8[%arg0, %run_scoped3A_23, %mul3A_2] : memref<2x2x102400xf32, #tpu.memory_space<hbm>> -> memref<1x1x6400xf32, #tpu.memory_space<hbm>>
      %dma_start3A_26 = tpu.memref_squeeze %dma_start3A_25 : memref<1x1x6400xf32, #tpu.memory_space<hbm>> -> memref<6400xf32, #tpu.memory_space<hbm>>
      %dma_start3A_27 = tpu.memref_slice %arg23[%mul3A_2] : memref<102400xf32, #tpu.memory_space<vmem_shared>> -> memref<6400xf32, #tpu.memory_space<vmem_shared>>
      tpu.enqueue_dma source(%dma_start3A_27 : memref<6400xf32, #tpu.memory_space<vmem_shared>>) target(%dma_start3A_26 : memref<6400xf32, #tpu.memory_space<hbm>>) target_semaphore(%run_scoped3A_24 : memref<!tpu.dma_semaphore, #tpu.memory_space<semaphore_mem>>)
      %dma_wait3A = tpu.memref_slice %arg8[%arg0, %run_scoped3A_23, %mul3A_2] : memref<2x2x102400xf32, #tpu.memory_space<hbm>> -> memref<1x1x6400xf32, #tpu.memory_space<hbm>>
      %dma_wait3A_28 = tpu.memref_squeeze %dma_wait3A : memref<1x1x6400xf32, #tpu.memory_space<hbm>> -> memref<6400xf32, #tpu.memory_space<hbm>>
      %dma_wait3A_29 = tpu.memref_slice %arg23[%mul3A_2] : memref<102400xf32, #tpu.memory_space<vmem_shared>> -> memref<6400xf32, #tpu.memory_space<vmem_shared>>
      tpu.wait_dma2 semaphore(%run_scoped3A_24 : memref<!tpu.dma_semaphore, #tpu.memory_space<semaphore_mem>>) src(%dma_wait3A_29 : memref<6400xf32, #tpu.memory_space<vmem_shared>>) dst(%dma_wait3A_28 : memref<6400xf32, #tpu.memory_space<hbm>>)
      tpu.yield
    }) : () -> ()
    return
  }
}

module attributes {stable_mosaic.version = 14 : i64} {
  func.func @body(%arg0: i32, %arg1: memref<2x2x20480xf32, #tpu.memory_space<vmem>>, %arg2: memref<20480xi32, #tpu.memory_space<vmem>>, %arg3: memref<2x32xf32, #tpu.memory_space<vmem>>, %arg4: memref<1x32xf32, #tpu.memory_space<vmem>>, %arg5: memref<1x32xf32, #tpu.memory_space<vmem>>, %arg6: memref<1x1xf32, #tpu.memory_space<vmem>>, %arg7: memref<64x1xf32, #tpu.memory_space<vmem>>, %arg8: memref<64x32xf32, #tpu.memory_space<vmem>>) attributes {dimension_semantics = [#tpu.dimension_semantics<arbitrary>], iteration_bounds = array<i64: 5>, scalar_prefetch = 0 : i64, scratch_operands = 1 : i64, tpu.core_type = #tpu.core_type<tc>, window_params = [{transform_indices = @transform_0, window_bounds = array<i64: 2, 2, 20480>}, {transform_indices = @transform_1, window_bounds = array<i64: 20480>}, {pipeline_mode = #tpu.pipeline_mode<synchronous>, transform_indices = @transform_2, window_bounds = array<i64: 2, 32>}, {pipeline_mode = #tpu.pipeline_mode<synchronous>, transform_indices = @transform_3, window_bounds = array<i64: 1, 32>}, {pipeline_mode = #tpu.pipeline_mode<synchronous>, transform_indices = @transform_4, window_bounds = array<i64: 1, 32>}, {pipeline_mode = #tpu.pipeline_mode<synchronous>, transform_indices = @transform_5, window_bounds = array<i64: 1, 1>}, {pipeline_mode = #tpu.pipeline_mode<synchronous>, transform_indices = @transform_6, window_bounds = array<i64: 64, 1>}]} {
    %eq3A = arith.constant 0 : i32
    %eq3A_0 = arith.cmpi eq, %arg0, %eq3A : i32
    %convert_element_type3A = arith.extui %eq3A_0 : i1 to i32
    %cond3A = arith.constant 0 : i32
    %cond3A_1 = arith.cmpi ne, %convert_element_type3A, %cond3A : i32
    scf.if %cond3A_1 {
      %broadcast_in_dim3A_61 = arith.constant 0.000000e+00 : f32
      %broadcast_in_dim3A_62 = vector.broadcast %broadcast_in_dim3A_61 : f32 to vector<64x32xf32>
      %swap3A_63 = arith.constant 0 : index
      %swap3A_64 = arith.constant 0 : index
      %swap3A_65 = vector.load %arg8[%swap3A_63, %swap3A_64] : memref<64x32xf32, #tpu.memory_space<vmem>>, vector<64x32xf32>
      tpu.vector_store %arg8[%swap3A_63, %swap3A_64], %broadcast_in_dim3A_62 {strides = array<i32>} : memref<64x32xf32, #tpu.memory_space<vmem>>, vector<64x32xf32>,
    } else {
    }
    %get3A = arith.constant 0 : index
    %get3A_2 = arith.constant 0 : index
    %get3A_3 = arith.constant 0 : index
    %get3A_4 = vector.load %arg1[%get3A, %get3A_2, %get3A_3] : memref<2x2x20480xf32, #tpu.memory_space<vmem>>, vector<1x1x20480xf32>
    %get3A_5 = vector.shape_cast %get3A_4 : vector<1x1x20480xf32> to vector<20480xf32>
    %get3A_6 = arith.constant 1 : index
    %get3A_7 = arith.constant 0 : index
    %get3A_8 = arith.constant 0 : index
    %get3A_9 = vector.load %arg1[%get3A_6, %get3A_7, %get3A_8] : memref<2x2x20480xf32, #tpu.memory_space<vmem>>, vector<1x1x20480xf32>
    %get3A_10 = vector.shape_cast %get3A_9 : vector<1x1x20480xf32> to vector<20480xf32>
    %add3A = arith.addf %get3A_5, %get3A_10 : vector<20480xf32>
    %get3A_11 = arith.constant 0 : index
    %get3A_12 = arith.constant 1 : index
    %get3A_13 = arith.constant 0 : index
    %get3A_14 = vector.load %arg1[%get3A_11, %get3A_12, %get3A_13] : memref<2x2x20480xf32, #tpu.memory_space<vmem>>, vector<1x1x20480xf32>
    %get3A_15 = vector.shape_cast %get3A_14 : vector<1x1x20480xf32> to vector<20480xf32>
    %get3A_16 = arith.constant 1 : index
    %get3A_17 = arith.constant 1 : index
    %get3A_18 = arith.constant 0 : index
    %get3A_19 = vector.load %arg1[%get3A_16, %get3A_17, %get3A_18] : memref<2x2x20480xf32, #tpu.memory_space<vmem>>, vector<1x1x20480xf32>
    %get3A_20 = vector.shape_cast %get3A_19 : vector<1x1x20480xf32> to vector<20480xf32>
    %add3A_21 = arith.addf %get3A_15, %get3A_20 : vector<20480xf32>
    %broadcast_in_dim3A = vector.shape_cast %add3A : vector<20480xf32> to vector<20480x1xf32>
    %get3A_22 = arith.constant 0 : index
    %get3A_23 = arith.constant 0 : index
    %get3A_24 = vector.load %arg3[%get3A_22, %get3A_23] : memref<2x32xf32, #tpu.memory_space<vmem>>, vector<1x32xf32>
    %mul3A = vector.broadcast %broadcast_in_dim3A : vector<20480x1xf32> to vector<20480x32xf32>
    %mul3A_25 = vector.broadcast %get3A_24 : vector<1x32xf32> to vector<20480x32xf32>
    %mul3A_26 = arith.mulf %mul3A, %mul3A_25 : vector<20480x32xf32>
    %broadcast_in_dim3A_27 = vector.shape_cast %add3A_21 : vector<20480xf32> to vector<20480x1xf32>
    %get3A_28 = arith.constant 1 : index
    %get3A_29 = arith.constant 0 : index
    %get3A_30 = vector.load %arg3[%get3A_28, %get3A_29] : memref<2x32xf32, #tpu.memory_space<vmem>>, vector<1x32xf32>
    %mul3A_31 = vector.broadcast %broadcast_in_dim3A_27 : vector<20480x1xf32> to vector<20480x32xf32>
    %mul3A_32 = vector.broadcast %get3A_30 : vector<1x32xf32> to vector<20480x32xf32>
    %mul3A_33 = arith.mulf %mul3A_31, %mul3A_32 : vector<20480x32xf32>
    %add3A_34 = arith.addf %mul3A_26, %mul3A_33 : vector<20480x32xf32>
    %get3A_35 = arith.constant 0 : index
    %get3A_36 = arith.constant 0 : index
    %get3A_37 = vector.load %arg4[%get3A_35, %get3A_36] : memref<1x32xf32, #tpu.memory_space<vmem>>, vector<1x32xf32>
    %add3A_38 = vector.broadcast %get3A_37 : vector<1x32xf32> to vector<20480x32xf32>
    %add3A_39 = arith.addf %add3A_34, %add3A_38 : vector<20480x32xf32>
    %max3A = arith.constant 0.000000e+00 : f32
    %max3A_40 = vector.broadcast %max3A : f32 to vector<20480x32xf32>
    %max3A_41 = arith.maximumf %add3A_39, %max3A_40 : vector<20480x32xf32>
    %get3A_42 = arith.constant 0 : index
    %get3A_43 = vector.load %arg2[%get3A_42] : memref<20480xi32, #tpu.memory_space<vmem>>, vector<20480xi32>
    %iota3A = tpu.iota {dimensions = array<i32: 0>} : vector<64x20480xi32>
    %broadcast_in_dim3A_44 = vector.shape_cast %get3A_43 : vector<20480xi32> to vector<1x20480xi32>
    %eq3A_45 = vector.broadcast %broadcast_in_dim3A_44 : vector<1x20480xi32> to vector<64x20480xi32>
    %eq3A_46 = arith.cmpi eq, %iota3A, %eq3A_45 : vector<64x20480xi32>
    %convert_element_type3A_47 = arith.extui %eq3A_46 : vector<64x20480xi1> to vector<64x20480xi32>
    %convert_element_type3A_48 = arith.sitofp %convert_element_type3A_47 : vector<64x20480xi32> to vector<64x20480xf32>
    %get3A_49 = arith.constant 0 : index
    %get3A_50 = arith.constant 0 : index
    %get3A_51 = vector.load %arg8[%get3A_49, %get3A_50] : memref<64x32xf32, #tpu.memory_space<vmem>>, vector<64x32xf32>
    %dot_general3A = arith.constant dense<0.000000e+00> : vector<64x32xf32>
    %dot_general3A_52 = tpu.matmul %convert_element_type3A_48, %max3A_41, %dot_general3A {dimension_numbers = #tpu.dot_dimension_numbers<[1], [0], [0], [1], [0, 0, 1, 1], [], []>, transpose_lhs_hint = false} : vector<64x20480xf32>, vector<20480x32xf32>, vector<64x32xf32> -> vector<64x32xf32>
    %add3A_53 = arith.addf %get3A_51, %dot_general3A_52 : vector<64x32xf32>
    %swap3A = arith.constant 0 : index
    %swap3A_54 = arith.constant 0 : index
    %swap3A_55 = vector.load %arg8[%swap3A, %swap3A_54] : memref<64x32xf32, #tpu.memory_space<vmem>>, vector<64x32xf32>
    tpu.vector_store %arg8[%swap3A, %swap3A_54], %add3A_53 {strides = array<i32>} : memref<64x32xf32, #tpu.memory_space<vmem>>, vector<64x32xf32>,
    %eq3A_56 = arith.constant 4 : i32
    %eq3A_57 = arith.cmpi eq, %arg0, %eq3A_56 : i32
    %convert_element_type3A_58 = arith.extui %eq3A_57 : i1 to i32
    %cond3A_59 = arith.constant 0 : i32
    %cond3A_60 = arith.cmpi ne, %convert_element_type3A_58, %cond3A_59 : i32
    scf.if %cond3A_60 {
      %get3A_61 = arith.constant 0 : index
      %get3A_62 = arith.constant 0 : index
      %get3A_63 = vector.load %arg8[%get3A_61, %get3A_62] : memref<64x32xf32, #tpu.memory_space<vmem>>, vector<64x32xf32>
      %get3A_64 = arith.constant 0 : index
      %get3A_65 = arith.constant 0 : index
      %get3A_66 = vector.load %arg5[%get3A_64, %get3A_65] : memref<1x32xf32, #tpu.memory_space<vmem>>, vector<1x32xf32>
      %mul3A_67 = vector.broadcast %get3A_66 : vector<1x32xf32> to vector<64x32xf32>
      %mul3A_68 = arith.mulf %get3A_63, %mul3A_67 : vector<64x32xf32>
      %reduce_sum3A = arith.constant dense<0.000000e+00> : vector<64xf32>
      %reduce_sum3A_69 = vector.multi_reduction <add>, %mul3A_68, %reduce_sum3A [1] : vector<64x32xf32> to vector<64xf32>
      %broadcast_in_dim3A_70 = vector.shape_cast %reduce_sum3A_69 : vector<64xf32> to vector<64x1xf32>
      %get3A_71 = arith.constant 0 : index
      %get3A_72 = arith.constant 0 : index
      %get3A_73 = vector.load %arg6[%get3A_71, %get3A_72] : memref<1x1xf32, #tpu.memory_space<vmem>>, vector<1x1xf32>
      %get3A_74 = vector.extract %get3A_73[0, 0] : f32 from vector<1x1xf32>
      %add3A_75 = vector.broadcast %get3A_74 : f32 to vector<64x1xf32>
      %add3A_76 = arith.addf %broadcast_in_dim3A_70, %add3A_75 : vector<64x1xf32>
      %swap3A_77 = arith.constant 0 : index
      %swap3A_78 = arith.constant 0 : index
      %swap3A_79 = vector.load %arg7[%swap3A_77, %swap3A_78] : memref<64x1xf32, #tpu.memory_space<vmem>>, vector<64x1xf32>
      tpu.vector_store %arg7[%swap3A_77, %swap3A_78], %add3A_76 {strides = array<i32>} : memref<64x1xf32, #tpu.memory_space<vmem>>, vector<64x1xf32>,
    } else {
    }
    return
  }
  func.func @transform_0(%arg0: i32) -> (i32, i32, i32) {
    %c0_i32 = arith.constant 0 : i32
    %c0_i32_0 = arith.constant 0 : i32
    %c0_i32_1 = arith.constant 0 : i32
    return %c0_i32, %c0_i32_0, %arg0 : i32, i32, i32
  }
  func.func @transform_1(%arg0: i32) -> i32 {
    %c0_i32 = arith.constant 0 : i32
    return %arg0 : i32
  }
  func.func @transform_2(%arg0: i32) -> (i32, i32) {
    %c0_i32 = arith.constant 0 : i32
    %c0_i32_0 = arith.constant 0 : i32
    %c0_i32_1 = arith.constant 0 : i32
    return %c0_i32, %c0_i32_0 : i32, i32
  }
  func.func @transform_3(%arg0: i32) -> (i32, i32) {
    %c0_i32 = arith.constant 0 : i32
    %c0_i32_0 = arith.constant 0 : i32
    %c0_i32_1 = arith.constant 0 : i32
    return %c0_i32, %c0_i32_0 : i32, i32
  }
  func.func @transform_4(%arg0: i32) -> (i32, i32) {
    %c0_i32 = arith.constant 0 : i32
    %c0_i32_0 = arith.constant 0 : i32
    %c0_i32_1 = arith.constant 0 : i32
    return %c0_i32, %c0_i32_0 : i32, i32
  }
  func.func @transform_5(%arg0: i32) -> (i32, i32) {
    %c0_i32 = arith.constant 0 : i32
    %c0_i32_0 = arith.constant 0 : i32
    %c0_i32_1 = arith.constant 0 : i32
    return %c0_i32, %c0_i32_0 : i32, i32
  }
  func.func @transform_6(%arg0: i32) -> (i32, i32) {
    %c0_i32 = arith.constant 0 : i32
    %c0_i32_0 = arith.constant 0 : i32
    %c0_i32_1 = arith.constant 0 : i32
    return %c0_i32, %c0_i32_0 : i32, i32
  }
}

</mosaic_0001>

<sc_bundles>
// kernel: kernel.4.cloned.1.call-start
scs
__scs_entry_jumppad:
0x0: {  	(pc) =	sbr.rel $0x88, $3  }
0x1: {  	(tag) =	ssettag $0x0;
	lr =	simm.s32 $0x1  }
0x2: {  	[smem:$0x3F99] =	sst lr;
	_ =	strace $0xD0000000  }
0x3: {  	_ = 	snop  }
0x4: {  	_ = 	snop  }
0x5: {  	_ = 	snop  }
0x6: {  	_ = 	snop  }
0x7: {  	_ = 	snop  }
__scs_overlays_trampoline_lowered:
0x8: {  	[smem:$0x3FA8] =	sst s0  }
0x9: {  	[smem:$0x3FA9] =	sst s1  }
0xa: {  	[smem:$0x3FAA] =	sst s2  }
0xb: {  	[smem:$0x3FAB] =	sst s3  }
0xc: {  	[smem:$0x3FAC] =	sst s4  }
0xd: {  	[smem:$0x3FAD] =	sst s5  }
0xe: {  	[smem:$0x3FAE] =	sst s6  }
0xf: {  	[smem:$0x3FAF] =	sst s7  }
0x10: {  	[smem:$0x3FB0] =	sst s8  }
0x11: {  	[smem:$0x3FB1] =	sst s9;
	s0 =	simm.s32 @!p0 $0x0  }
0x12: {  	s1 =	sld [smem:$0x3F97];
	s0 =	simm.s32 @p0 $0x1  }
0x13: {  	[smem:$0x3FB2] =	sst s0;
	s0 =	simm.s32 @!p1 $0x0  }
0x14: {  	s2 =	sld [smem:$0x3F96];
	s0 =	simm.s32 @p1 $0x1  }
0x15: {  	[smem:$0x3FB3] =	sst s0;
	s0 =	simm.s32 @!p2 $0x0  }
0x16: {  	s3 =	sld [smem:$0x3FDB];
	s0 =	simm.s32 @p2 $0x1  }
0x17: {  	s4 =	simm.s32 $0x1BF5;
	[smem:$0x3FB5] =	sst s0  }
0x18: {  	s0 =	sld [smem:$0x3F98];
	_ =	swait.ge [sflag:s4], $0x0  }
0x19: {  	s7 =	sld [smem:$0x3F99]  }
0x1a: {  	s8 =	sadd.s32 $0xFFFFE003, lr  }
0x1b: {  	s9 =	sadd.s32 $0xFFFFFEF7, lr;
	s5 =	simm.s32 $0xFFFFFFFF;
	p2 =	slt.u32 s8, $0xFFFFF086  }
0x1c: {  	p1 =	slt.u32 s9, $0xF7A;
	s5 =	simm.s32 @!p2 $0x0  }
0x1d: {  	s5 =	simm.s32 @p1 $0x1;
	p0 =	seq.s32 s7, s2  }
0x1e: {  	s7 =	smul.u32 @!p0 $0xF7A, s2;
	p2 =	seq.s32 @!p0 s5, $0x0  }
0x1f: {  	s9 =	smul.u32 $0xF7A, s1;
	s8 =	simm.s32 @!p0 $0x1BF5;
	p2 =	por !p2, p0  }
0x20: {  	[sflag:s8] =	ssyncset.s32 @!p0 $0xFFFFF086;
	s6 =	sadd.s32 @!p0 s3, s7;
	s7 =	simm.s32 @!p0 $0x108  }
0x21: {  	s3 =	sadd.s32 s3, s9;
	s6 =	sadd.s32 @!p0 $0x88, s6;
	s7 =	simm.s32 @p2 $0x1082  }
0x22: {  	[simem:s7], [sflag:s8] =	dma.local @!p0 [hbm:s6], $0xF7A  }
0x23: {  	s9 =	sor.u32 $0xD0000000, s2;
	s6 =	simm.s32 $0x108;
	_ =	swait.ge @!p0 [sflag:s8], $0x0  }
0x24: {  	s3 =	sadd.s32 $0x88, s3;
	s6 =	simm.s32 @!p1 $0x1082;
	[sflag:s4] =	ssyncset.s32 $0xFFFFF086  }
0x25: {  	[simem:s6], [sflag:s4] =	dma.local [hbm:s3], $0xF7A  }
0x26: {  	[smem:$0x3F99] =	sst s1;
	(tag) =	ssettag s2;
	_ =	strace s9  }
0x27: {  	s1 =	sld [smem:$0x3FA9]  }
0x28: {  	s2 =	sld [smem:$0x3FAA]  }
0x29: {  	s4 =	sld [smem:$0x3FAC]  }
0x2a: {  	p0 =	seq.s32 s5, $0x0;
	s5 =	sld [smem:$0x3FAD]  }
0x2b: {  	s6 =	sld [smem:$0x3FAE]  }
0x2c: {  	s7 =	sld [smem:$0x3FAF]  }
0x2d: {  	s3 =	simm.s32 $0x108;
	s8 =	sld [smem:$0x3FB0]  }
0x2e: {  	s3 =	simm.s32 @!p0 $0x1082;
	s9 =	sld [smem:$0x3FB1]  }
0x2f: {  	lr =	sadd.s32 s0, s3;
	s0 =	sld [smem:$0x3FA8]  }
0x30: {  	s3 =	sld [smem:$0x3FAB]  }
0x31: {  	[smem:$0x3FB4] =	sst s10  }
0x32: {  	s10 =	sld [smem:$0x3FB2];
	_ =	sdelay $0x3  }
0x33: {  	p0 =	seq.s32 s10, $0x1;
	s10 =	sld [smem:$0x3FB4];
	_ =	sdelay $0x3  }
0x34: {  	[smem:$0x3FB4] =	sst s10  }
0x35: {  	s10 =	sld [smem:$0x3FB3];
	_ =	sdelay $0x3  }
0x36: {  	p1 =	seq.s32 s10, $0x1;
	s10 =	sld [smem:$0x3FB4];
	_ =	sdelay $0x3  }
0x37: {  	[smem:$0x3FB4] =	sst s10  }
0x38: {  	s10 =	sld [smem:$0x3FB5]  }
0x39: {  	_ = 	snop;
	(pc) =	sbr.ind lr, $3  }
0x3a: {  	_ = 	snop  }
0x3b: {  	_ = 	snop  }
0x3c: {  	p2 =	seq.s32 s10, $0x1;
	s10 =	sld [smem:$0x3FB4]  }
0x3d: {  	_ =	shalt  }
0x3e: {  	_ =	shalt  }
0x3f: {  	_ =	shalt  }
0x40: {  	_ =	shalt  }
0x41: {  	_ =	shalt  }
0x42: {  	_ =	shalt  }
0x43: {  	_ =	shalt  }
0x44: {  	_ =	shalt  }
0x45: {  	_ =	shalt  }
0x46: {  	_ =	shalt  }
0x47: {  	_ =	shalt  }
0x48: {  	_ =	shalt  }
0x49: {  	_ =	shalt  }
0x4a: {  	_ =	shalt  }
0x4b: {  	_ =	shalt  }
0x4c: {  	_ =	shalt  }
0x4d: {  	_ =	shalt  }
0x4e: {  	_ =	shalt  }
0x4f: {  	_ =	shalt  }
0x50: {  	_ =	shalt  }
0x51: {  	_ =	shalt  }
0x52: {  	_ =	shalt  }
0x53: {  	_ =	shalt  }
0x54: {  	_ =	shalt  }
0x55: {  	_ =	shalt  }
0x56: {  	_ =	shalt  }
0x57: {  	_ =	shalt  }
0x58: {  	_ =	shalt  }
0x59: {  	_ =	shalt  }
0x5a: {  	_ =	shalt  }
0x5b: {  	_ =	shalt  }
0x5c: {  	_ =	shalt  }
0x5d: {  	_ =	shalt  }
0x5e: {  	_ =	shalt  }
0x5f: {  	_ =	shalt  }
0x60: {  	_ =	shalt  }
0x61: {  	_ =	shalt  }
0x62: {  	_ =	shalt  }
0x63: {  	_ =	shalt  }
0x64: {  	_ =	shalt  }
0x65: {  	_ =	shalt  }
0x66: {  	_ =	shalt  }
0x67: {  	_ =	shalt  }
0x68: {  	_ =	shalt  }
0x69: {  	_ =	shalt  }
0x6a: {  	_ =	shalt  }
0x6b: {  	_ =	shalt  }
0x6c: {  	_ =	shalt  }
0x6d: {  	_ =	shalt  }
0x6e: {  	_ =	shalt  }
0x6f: {  	_ =	shalt  }
0x70: {  	_ =	shalt  }
0x71: {  	_ =	shalt  }
0x72: {  	_ =	shalt  }
0x73: {  	_ =	shalt  }
0x74: {  	_ =	shalt  }
0x75: {  	_ =	shalt  }
0x76: {  	_ =	shalt  }
0x77: {  	_ =	shalt  }
0x78: {  	_ =	shalt  }
0x79: {  	_ =	shalt  }
0x7a: {  	_ =	shalt  }
0x7b: {  	_ =	shalt  }
0x7c: {  	_ =	shalt  }
0x7d: {  	_ =	shalt  }
0x7e: {  	_ =	shalt  }
0x7f: {  	_ =	shalt  }
0x80: {  	_ =	shalt  }
0x81: {  	_ =	shalt  }
0x82: {  	_ =	shalt  }
0x83: {  	_ =	shalt  }
0x84: {  	_ =	shalt  }
0x85: {  	_ =	shalt  }
0x86: {  	_ =	shalt  }
0x87: {  	_ =	shalt  }
.Lfunc_end0:
.L_simem_size_0:
called_computation_lowered:
.L_overlay_start_0:
0x88: {  	s2 =	sld [smem:$0x3FD9]  }
0x89: {  	s3 =	sld [smem:$0x3FFE];
	_ =	sdelay $0x1  }
0x8a: {  	s1 =	srdreg.scid  }
0x8b: {  	s0 =	sand.u32 $0x1, s1  }
0x8c: {  	s16 =	sshll.u32 s0, $0xA;
	s2 =	sadd.s32 s3, s2  }
0x8d: {  	s2 =	sadd.s32 s2, s16  }
0x8e: {  	[smem:$0x3FC0] =	sst s2  }
0x8f: {  	_ = 	snop  }
0x90: {  	(tm) =	ssettm $0x1  }
0x91: {  	s17 =	sld [smem:$0x3FFB];
	_ =	sdelay $0x3  }
0x92: {  	_ =	strace s17  }
0x93: {  	s2 =	sld [smem:$0x3FFC];
	_ =	sdelay $0x3  }
0x94: {  	_ =	strace s2  }
0x95: {  	s2 =	sld [smem:$0x3FFD];
	_ =	sdelay $0x3  }
0x96: {  	_ =	strace s2  }
0x97: {  	_ =	strace $0x8FFFFFFF  }
0x98: {  	s18 =	sld [smem:$0x3FDB];
	_ =	sdelay $0x1  }
0x99: {  	s19 =	simm.s32 $_scs_section_size  }
0x9a: {  	s4 =	simm.s32 $_size__tile_overlayer_lowered;
	s5 =	simm.s32 $_tile_overlayer_lowered  }
0x9b: {  	s22 =	simm.s32 $0x1BFF;
	s21 =	sshll.u32 s5, $0x1;
	s2 =	sadd.s32 s19, s18  }
0x9c: {  	s6 =	simm.s32 $0x0;
	s20 =	sshll.u32 s4, $0x1;
	s4 =	sadd.s32 s21, s2  }
0x9d: {  	[timem:s6], [sflag:s22] =	dma.local [hbm:s4], s20  }
0x9e: {  	_ =	swait.ge [sflag:s22], s20  }
0x9f: {  	s3 =	ssub.s32 $0x0, s20;
	[sflag:s22] =	ssyncset.done $0x0  }
0xa0: {  	[sflag:s22] =	ssyncadd.s32 s3;
	_ =	sdelay $0x1  }
0xa1: {  	s23 =	simm.s32 $0x1B8B  }
0xa2: {  	_ =	swait.ge [sflag:s23], $0x1  }
0xa3: {  	[sflag:s23] =	ssyncset.done $0x0  }
0xa4: {  	s25 =	simm.s32 $0x1B8E;
	s24 =	sld [smem:$0x3FFE];
	[sflag:s23] =	ssyncadd.s32 $0xFFFFFFFF  }
0xa5: {  	s26 =	simm.s32 $execute0_lowered;
	[smem:$0x3FD2] =	sst s25  }
0xa6: {  	s4 =	sshll.u32 s26, $0x1;
	_ =	strace $0x80000046;
	[dreg:$0x1] =	wrdreg $0xFFFFFFFF  }
0xa7: {  	s28 =	simm.s32 $_size_execute0_lowered;
	s2 =	sadd.s32 s2, s4;
	[dreg:$0x0] =	wrdreg $0x0  }
0xa8: {  	s4 =	sshll.u32 s28, $0x1;
	[dreg:$0x2] =	wrdreg s2  }
0xa9: {  	[dreg:$0x3] =	wrdreg s4  }
0xaa: {  	[dreg:$0x4] =	wrdreg $0xC0  }
0xab: {  	_ =	task [dreg:s6], $0x5FFFF  }
0xac: {  	[dreg:$0x1] =	wrdreg $0xFFFFFFFF  }
0xad: {  	[dreg:$0x0] =	wrdreg $0x60  }
0xae: {  	[dreg:$0x2] =	wrdreg s24  }
0xaf: {  	[dreg:$0x3] =	wrdreg $0x113000  }
0xb0: {  	[dreg:$0x4] =	wrdreg $0x12C000  }
0xb1: {  	[dreg:$0x5] =	wrdreg $0xE1000  }
0xb2: {  	[dreg:$0x6] =	wrdreg $0xFA000  }
0xb3: {  	[dreg:$0x7] =	wrdreg $0x9  }
0xb4: {  	_ =	task.clear_ibuf [dreg:s6], $0x8FFFF;
	_ =	strace $0x90000046  }
0xb5: {  	s29 =	simm.s32 $0x9;
	_ =	strace $0x80000048  }
0xb6: {  	_ =	swait.ge [sflag:s29], $0x1  }
0xb7: {  	[sflag:s29] =	ssyncadd.s32 $0xFFFFFFFF  }
0xb8: {  	_ =	strace $0x90000048  }
0xb9: {  	_ =	sfence  }
0xba: {  	s30 =	sld [smem:$0x0];
	_ =	sdelay $0x2  }
0xbb: {  	s31 =	sshll.u32 s1, $0xD;
	s1 =	sshrl.u32 s1, $0x2  }
0xbc: {  	s3 =	sand.u32 $0x4000, s31;
	s1 =	sadd.s32 s1, s30  }
0xbd: {  	s0 =	sor.u32 s3, s0;
	s1 =	sshll.u32 s1, $0x11  }
0xbe: {  	s0 =	sor.u32 s1, s0  }
0xbf: {  	s0 =	sadd.s32 $0x8F2B, s0  }
0xc0: {  	[sflag:s0] =	ssyncadd.remote.s32 $0x1  }
0xc1: {  	_ =	sfence.sel $0xFFFF  }
0xc2: {  	[dreg:$0x0] =	wrdreg $0xFFFFFFFF;
	(pc) =	sbr.abs _section_cstart, $3  }
0xc3: {  	[dreg:$0x1] =	wrdreg $0xFFFFFFFF  }
0xc4: {  	_ =	task.clear_ibuf [dreg:s6], $0x2FFFF;
	_ =	strace $0x9FFFFFFF  }
0xc5: {  	(tm) =	ssettm $0x7FFFFFFF  }
tec
execute0_lowered:
.L_overlay_start_1:
0x0: {  	(tag) =	ssettag $0x1  }
0x1: {  	s0 =	rddreg [dreg:$0x0]  }
0x2: {  	s1 =	rddreg [dreg:$0x1]  }
0x3: {  	s2 =	rddreg [dreg:$0x2]  }
0x4: {  	s4 =	rddreg [dreg:$0x3]  }
0x5: {  	s5 =	rddreg [dreg:$0x4]  }
0x6: {  	s6 =	simm.s32 $0x0;
	s15 =	stileid.u32;
	s3 =	srdreg.scid  }
0x7: {  	s28 =	simm.s32 $0x7;
	s29 =	simm.s32 $0x2800;
	s30 =	simm.s32 $0x4  }
0x8: {  	s31 =	simm.s32 $0x5;
	[smem:$0x7FF] =	sst s6;
	s11 =	smul.u32 $0x1900, s15  }
0x9: {  	s3 =	sand.u32 $0x1, s3;
	s7 =	sadd.s32 $0xC4200, s0;
	s8 =	sadd.s32 $0xC00, s0  }
0xa: {  	s13 =	smul.u32 $0x3200, s15;
	s10 =	sadd.s32 $0x187800, s0;
	s15 =	sshll.u32 s15, $0x1  }
0xb: {  	_ =	strace $0x80000047;
	s12 =	smul.u32 $0x32000, s3;
	s23 =	ssub.s32 $0x2, s3  }
0xc: {  	s3 =	sor.u32 s3, s15;
	s9 =	sshrl.u32 s11, $0x3;
	s16 =	sshrl.u32 s23, $0x1  }
0xd: {  	s3 =	smul.u32 $0x30D40, s3;
	s25 =	sadd.s32 s11, s4;
	s14 =	sadd.s32 s9, s0  }
0xe: {  	s9 =	sadd.s32 $0x24AE00, s0;
	s12 =	sadd.s32 s13, s12;
	s24 =	ssub.s32 s23, s16  }
0xf: {  	s16 =	sadd.s32 s11, s1;
	s23 =	sadd.s32 s11, s2;
	s25 =	sshrl.u32 s25, $0x3  }
0x10: {  	s11 =	sadd.s32 s11, s5;
	s13 =	simm.s32 $0x1400;
	[dreg:$0x11] =	wrdreg s25  }
0x11: {  	s12 =	sshrl.u32 s12, $0x3;
	s26 =	sadd.s32 $0x30E400, s14;
	[dreg:$0x6] =	wrdreg s16  }
0x12: {  	s17 =	sshrl.u32 s3, $0x3;
	s14 =	sadd.s32 $0x311600, s14;
	[dreg:$0x7] =	wrdreg s23  }
0x13: {  	s24 =	smax.u32 s24, $0x1;
	s0 =	sadd.s32 s12, s0;
	[dreg:$0x8] =	wrdreg s26  }
0x14: {  	[dreg:$0x9] =	wrdreg s14;
	s18 =	sadd.s32 s7, s17;
	s19 =	sadd.s32 s8, s17  }
0x15: {  	s20 =	sadd.s32 s9, s17;
	s21 =	sadd.s32 s10, s17;
	[dreg:$0x10] =	wrdreg s24  }
0x16: {  	s26 =	sshrl.u32 s11, $0x3;
	s14 =	simm.s32 $0x3C00;
	[dreg:$0xa] =	wrdreg s18  }
0x17: {  	s17 =	simm.s32 $0x1388;
	s12 =	simm.s32 $0x0;
	[dreg:$0xb] =	wrdreg s19  }
0x18: {  	[dreg:$0xc] =	wrdreg s20;
	s18 =	sadd.s32 $0x1388, s3;
	s19 =	sadd.s32 $0x2710, s3  }
0x19: {  	[dreg:$0xd] =	wrdreg s21;
	s22 =	sadd.s32 $0x314800, s0;
	s0 =	sadd.s32 $0x314810, s0  }
0x1a: {  	[dreg:$0x12] =	wrdreg s26;
	s3 =	simm.s32 $0x6;
	s26 =	simm.s32 $0xA000  }
0x1b: {  	s20 =	simm.s32 $0xB400;
	s21 =	simm.s32 $0x1;
	[dreg:$0xe] =	wrdreg s22  }
0x1c: {  	v0 =	vimm.f32 $0.0e+00;
	[dreg:$0xf] =	wrdreg s0;
	s0 =	simm.s32 $0x3;
	s22 =	simm.s32 $0x2  }
.LBB2_1:
0x1d: {  	[dreg:$0x13] =	wrdreg s12;
	s11 =	simm.s32 $0xC840  }
0x1e: {  	[tilespmem:s11+$0xFFFFFFC0] =	vst v0  }
0x1f: {  	[tilespmem:s11+$0x30] =	vst v0  }
0x20: {  	[tilespmem:s11+$0x20] =	vst v0  }
0x21: {  	[tilespmem:s11+$0x10] =	vst v0  }
0x22: {  	[tilespmem:s11+$0x0] =	vst v0  }
0x23: {  	[tilespmem:s11+$0xFFFFFFF0] =	vst v0  }
0x24: {  	s12 =	simm.s32 $0x0;
	[tilespmem:s11+$0xFFFFFFE0] =	vst v0  }
.LBB2_2:
0x25: {  	s12 =	sadd.s32 $0x80, s12;
	[tilespmem:s11+$0xFFFFFFD0] =	vst v0;
	s11 =	sadd.s32 $0x80, s11  }
0x26: {  	[tilespmem:s11+$0xFFFFFFC0] =	vst v0;
	p0 =	slt.u32 s12, $0x1880  }
0x27: {  	[tilespmem:s11+$0x30] =	vst v0  }
.Ltmp0:
0x28: {  	[tilespmem:s11+$0x20] =	vst v0;
	(pc) =	sbr.rel @p0 .LBB2_2-.Ltmp0, $4  }
0x29: {  	[tilespmem:s11+$0x10] =	vst v0  }
0x2a: {  	[tilespmem:s11+$0x0] =	vst v0  }
0x2b: {  	[tilespmem:s11+$0xFFFFFFF0] =	vst v0  }
0x2c: {  	[tilespmem:s11+$0xFFFFFFE0] =	vst v0  }
0x2d: {  	[tilespmem:s11+$0xFFFFFFD0] =	vst v0;
	s12 =	simm.s32 $0xC800  }
0x2e: {  	[spmem:s16] =	stream.linear.scatter [tilespmem:s12], [sflag:$0x7], $0x1900, $0x38;
	[tilespmem:$0x14500] =	vst v63  }
0x2f: {  	_ =	swait.ge [sflag:s28], $0x1900  }
0x30: {  	[sflag:s28] =	ssyncset.done $0x0  }
0x31: {  	[sflag:s28] =	ssyncadd.s32 $0xFFFFE700  }
0x32: {  	[spmem:s23] =	stream.linear.scatter [tilespmem:s12], [sflag:$0x7], $0x1900, $0x38;
	[tilespmem:$0x14500] =	vst v63  }
0x33: {  	s15 =	stileid.u32;
	_ =	swait.ge [sflag:s28], $0x1900  }
0x34: {  	s11 =	sshll.u32 s15, $0x6;
	[sflag:s28] =	ssyncset.done $0x0;
	s16 =	rddreg [dreg:$0x8]  }
0x35: {  	s15 =	sor.u32 $0x1C07, s11;
	s12 =	rddreg [dreg:$0x11];
	[sflag:s28] =	ssyncadd.s32 $0xFFFFE700  }
0x36: {  	[spmem:s12], [sflag:s15] =	dma.local [hbm:s16], $0x320  }
0x37: {  	_ =	swait.ge [sflag:s28], $0x320;
	[dreg:$0x14] =	wrdreg s15  }
0x38: {  	[sflag:s28] =	ssyncset.done $0x0;
	s23 =	rddreg [dreg:$0x9]  }
0x39: {  	s24 =	rddreg [dreg:$0x12];
	[sflag:s28] =	ssyncadd.s32 $0xFFFFFCE0  }
0x3a: {  	[spmem:s24], [sflag:s15] =	dma.local [hbm:s23], $0x320  }
0x3b: {  	_ =	swait.ge [sflag:s28], $0x320  }
0x3c: {  	[sflag:s28] =	ssyncset.done $0x0  }
0x3d: {  	[sflag:s28] =	ssyncadd.s32 $0xFFFFFCE0  }
0x3e: {  	[bflag:$0x0] =	sbarrier.arrive $0xFFFF  }
0x3f: {  	s24 =	simm.s32 $0x0;
	s25 =	rddreg [dreg:$0xa]  }
0x40: {  	[tilespmem:s24], [sflag:$0x3] =	stream.linear.gather [hbm4b:s25+s24], $0x1388, $0x38;
	[tilespmem:$0x14500] =	vst v63  }
0x41: {  	s12 =	rddreg [dreg:$0xb]  }
0x42: {  	[tilespmem:s29], [sflag:$0x4] =	stream.linear.gather [hbm4b:s12+s24], $0x1388, $0x38;
	[tilespmem:$0x14500] =	vst v63  }
0x43: {  	s16 =	simm.s32 $0x5000;
	s15 =	rddreg [dreg:$0xc]  }
0x44: {  	[tilespmem:s16], [sflag:$0x5] =	stream.linear.gather [hbm4b:s15+s24], $0x1388, $0x38;
	[tilespmem:$0x14500] =	vst v63  }
0x45: {  	s23 =	rddreg [dreg:$0xd];
	s25 =	simm.s32 $0x7800  }
0x46: {  	[tilespmem:s25], [sflag:$0x6] =	stream.linear.gather [hbm4b:s23+s24], $0x1388, $0x38;
	[tilespmem:$0x14500] =	vst v63  }
.LBB2_4:
0x47: {  	_ =	swait.ge [sflag:s0], $0x1388  }
0x48: {  	[sflag:s0] =	ssyncset.done $0x0  }
0x49: {  	[sflag:s0] =	ssyncadd.s32 $0xFFFFEC78  }
0x4a: {  	_ =	swait.ge [sflag:s30], $0x1388  }
0x4b: {  	[sflag:s30] =	ssyncset.done $0x0  }
0x4c: {  	[sflag:s30] =	ssyncadd.s32 $0xFFFFEC78  }
0x4d: {  	_ =	swait.ge [sflag:s31], $0x1388  }
0x4e: {  	s11 =	smul.u32 $0x2710, s24;
	[sflag:s31] =	ssyncset.done $0x0  }
0x4f: {  	[sflag:s31] =	ssyncadd.s32 $0xFFFFEC78  }
0x50: {  	s12 =	sadd.s32 s11, s18;
	_ =	swait.ge [sflag:s3], $0x1388  }
0x51: {  	s12 =	sshrl.u32 s12, $0x3;
	[sflag:s3] =	ssyncset.done $0x0  }
0x52: {  	s15 =	sadd.s32 s7, s12;
	[sflag:s3] =	ssyncadd.s32 $0xFFFFEC78  }
0x53: {  	[tilespmem:s13], [sflag:$0x3] =	stream.linear.gather [hbm4b:s15+s6], $0x1388, $0x38;
	[tilespmem:$0x14500] =	vst v63  }
0x54: {  	s16 =	sadd.s32 s8, s12  }
0x55: {  	[tilespmem:s14], [sflag:$0x4] =	stream.linear.gather [hbm4b:s16+s6], $0x1388, $0x38;
	[tilespmem:$0x14500] =	vst v63  }
0x56: {  	s23 =	sadd.s32 s9, s12;
	s16 =	simm.s32 $0x6400  }
0x57: {  	[tilespmem:s16], [sflag:$0x5] =	stream.linear.gather [hbm4b:s23+s6], $0x1388, $0x38;
	[tilespmem:$0x14500] =	vst v63  }
0x58: {  	s25 =	simm.s32 $0x8C00;
	s12 =	sadd.s32 s10, s12  }
0x59: {  	[tilespmem:s25], [sflag:$0x6] =	stream.linear.gather [hbm4b:s12+s6], $0x1388, $0x38;
	[tilespmem:$0x14500] =	vst v63  }
0x5a: {  	_ = 	snop  }
0x5b: {  	[tilespmem:s26], [sflag:$0x1] =	stream.indirect.gather [spmem:s4], $0x1, s6, s17, $0xb8;
	[tilespmem:$0x14500] =	vst v63  }
0x5c: {  	_ = 	snop  }
0x5d: {  	[tilespmem:s20], [sflag:$0x2] =	stream.indirect.gather [spmem:s5], $0x1, s6, s17, $0xb8;
	[tilespmem:$0x14500] =	vst v63  }
0x5e: {  	_ =	swait.ge [sflag:s21], $0x1388  }
0x5f: {  	[sflag:s21] =	ssyncset.done $0x0  }
0x60: {  	[sflag:s21] =	ssyncadd.s32 $0xFFFFEC78  }
0x61: {  	_ =	swait.ge [sflag:s22], $0x1388  }
0x62: {  	[sflag:s22] =	ssyncset.done $0x0  }
0x63: {  	s16 =	simm.s32 $0xA040;
	[sflag:s22] =	ssyncadd.s32 $0xFFFFEC78  }
0x64: {  	s12 =	simm.s32 $0x5040;
	v1 =	vld [tilespmem:s16+$0x30]  }
0x65: {  	v2 =	vld [tilespmem:s12+$0x30]  }
0x66: {  	v3 =	vld [tilespmem:s12+$0xFFFFFFC0]  }
0x67: {  	v4 =	vld [tilespmem:s16+$0xFFFFFFD0]  }
0x68: {  	v5 =	vld [tilespmem:s12+$0xFFFFFFD0]  }
0x69: {  	v6 =	vld [tilespmem:s16+$0xFFFFFFE0]  }
0x6a: {  	v7 =	vld [tilespmem:s12+$0xFFFFFFE0]  }
0x6b: {  	v8 =	vld [tilespmem:s12+$0xFFFFFFF0]  }
0x6c: {  	v10 =	vld [tilespmem:s16+$0x0]  }
0x6d: {  	v11 =	vld [tilespmem:s12+$0x0]  }
0x6e: {  	v12 =	vld [tilespmem:s16+$0x10]  }
0x6f: {  	v13 =	vld [tilespmem:s12+$0x10]  }
0x70: {  	v14 =	vld [tilespmem:s12+$0x20];
	v1 =	vmul.f32 v2, v1  }
0x71: {  	v2 =	vld [tilespmem:s16+$0xFFFFFFF0];
	v4 =	vmul.f32 v5, v4  }
0x72: {  	v5 =	vld [tilespmem:s16+$0x20];
	[tilespmem:s16+$0x30] =	vst v1  }
0x73: {  	s23 =	simm.s32 $0xB440;
	[tilespmem:s16+$0xFFFFFFD0] =	vst v4;
	v4 =	vmul.f32 v7, v6;
	v6 =	vld [tilespmem:s16+$0xFFFFFFC0]  }
0x74: {  	s25 =	simm.s32 $0x7840;
	v1 =	vld [tilespmem:s23+$0x30]  }
0x75: {  	v9 =	vld [tilespmem:s25+$0x30]  }
0x76: {  	v7 =	vld [tilespmem:s23+$0xFFFFFFD0]  }
0x77: {  	[tilespmem:s16+$0xFFFFFFE0] =	vst v4;
	v4 =	vld [tilespmem:s25+$0xFFFFFFD0];
	v2 =	vmul.f32 v8, v2  }
0x78: {  	v8 =	vld [tilespmem:s23+$0xFFFFFFE0]  }
0x79: {  	v60 =	vld [tilespmem:s25+$0xFFFFFFE0];
	[tilespmem:s16+$0xFFFFFFF0] =	vst v2;
	v2 =	vmul.f32 v11, v10  }
0x7a: {  	v3 =	vmul.f32 v3, v6;
	v6 =	vld [tilespmem:s23+$0xFFFFFFF0]  }
0x7b: {  	v61 =	vld [tilespmem:s25+$0xFFFFFFF0];
	[tilespmem:s16+$0x0] =	vst v2  }
0x7c: {  	v2 =	vmul.f32 v9, v1;
	[tilespmem:s16+$0xFFFFFFC0] =	vst v3;
	v1 =	vld [tilespmem:s23+$0x0]  }
0x7d: {  	v3 =	vmul.f32 v13, v12;
	v62 =	vld [tilespmem:s23+$0xFFFFFFC0]  }
0x7e: {  	v63 =	vld [tilespmem:s25+$0xFFFFFFC0];
	[tilespmem:s23+$0x30] =	vst v2;
	v2 =	vmul.f32 v14, v5  }
0x7f: {  	[tilespmem:s16+$0x10] =	vst v3;
	v3 =	vmul.f32 v4, v7;
	v4 =	vld [tilespmem:s25+$0x0]  }
0x80: {  	v7 =	vmul.f32 v60, v8;
	v5 =	vld [tilespmem:s25+$0x10];
	[tilespmem:s16+$0x20] =	vst v2  }
0x81: {  	v2 =	vld [tilespmem:s23+$0x10];
	[tilespmem:s23+$0xFFFFFFD0] =	vst v3;
	v6 =	vmul.f32 v61, v6  }
0x82: {  	[tilespmem:s23+$0xFFFFFFE0] =	vst v7;
	v3 =	vld [tilespmem:s23+$0x20]  }
0x83: {  	s15 =	simm.s32 $0x0;
	s16 =	simm.s32 $0xA0C0;
	[tilespmem:s23+$0xFFFFFFF0] =	vst v6;
	v7 =	vmul.f32 v63, v62;
	v6 =	vld [tilespmem:s25+$0x20]  }
.LBB2_5:
0x84: {  	v8 =	vld [tilespmem:s16+$0x30];
	v1 =	vmul.f32 v4, v1;
	s12 =	sadd.s32 $0x80, s12  }
0x85: {  	v4 =	vld [tilespmem:s12+$0x30];
	[tilespmem:s23+$0xFFFFFFC0] =	vst v7  }
0x86: {  	s15 =	sadd.s32 $0x80, s15;
	v7 =	vld [tilespmem:s12+$0xFFFFFFC0];
	[tilespmem:s23+$0x0] =	vst v1;
	v1 =	vmul.f32 v5, v2  }
0x87: {  	p0 =	slt.u32 s15, $0x1300;
	v2 =	vld [tilespmem:s16+$0xFFFFFFD0]  }
0x88: {  	v5 =	vld [tilespmem:s12+$0xFFFFFFD0];
	[tilespmem:s23+$0x10] =	vst v1;
	v1 =	vmul.f32 v6, v3  }
0x89: {  	v3 =	vld [tilespmem:s16+$0xFFFFFFE0]  }
0x8a: {  	v6 =	vld [tilespmem:s12+$0xFFFFFFE0];
	v4 =	vmul.f32 v4, v8;
	[tilespmem:s23+$0x20] =	vst v1  }
0x8b: {  	v1 =	vld [tilespmem:s16+$0xFFFFFFF0]  }
0x8c: {  	s23 =	sadd.s32 $0x80, s23;
	v8 =	vld [tilespmem:s12+$0xFFFFFFF0];
	[tilespmem:s16+$0x30] =	vst v4  }
0x8d: {  	s25 =	sadd.s32 $0x80, s25;
	v2 =	vmul.f32 v5, v2;
	v4 =	vld [tilespmem:s23+$0x30]  }
0x8e: {  	v5 =	vld [tilespmem:s25+$0x30]  }
0x8f: {  	[tilespmem:s16+$0xFFFFFFD0] =	vst v2;
	v2 =	vmul.f32 v6, v3;
	v3 =	vld [tilespmem:s16+$0x0]  }
0x90: {  	v6 =	vld [tilespmem:s12+$0x0]  }
0x91: {  	[tilespmem:s16+$0xFFFFFFE0] =	vst v2;
	v1 =	vmul.f32 v8, v1;
	v2 =	vld [tilespmem:s16+$0x10]  }
0x92: {  	v8 =	vld [tilespmem:s12+$0x10]  }
0x93: {  	[tilespmem:s16+$0xFFFFFFF0] =	vst v1;
	v1 =	vld [tilespmem:s16+$0x20];
	v4 =	vmul.f32 v5, v4  }
0x94: {  	v5 =	vld [tilespmem:s12+$0x20]  }
0x95: {  	v9 =	vld [tilespmem:s16+$0xFFFFFFC0];
	v3 =	vmul.f32 v6, v3;
	[tilespmem:s23+$0x30] =	vst v4  }
0x96: {  	v4 =	vld [tilespmem:s23+$0xFFFFFFD0]  }
0x97: {  	v6 =	vld [tilespmem:s25+$0xFFFFFFD0];
	[tilespmem:s16+$0x0] =	vst v3;
	v2 =	vmul.f32 v8, v2  }
0x98: {  	v3 =	vld [tilespmem:s23+$0xFFFFFFE0]  }
0x99: {  	v8 =	vld [tilespmem:s25+$0xFFFFFFE0];
	[tilespmem:s16+$0x10] =	vst v2;
	v1 =	vmul.f32 v5, v1  }
0x9a: {  	v2 =	vmul.f32 v7, v9;
	v5 =	vld [tilespmem:s23+$0xFFFFFFF0]  }
0x9b: {  	v7 =	vld [tilespmem:s25+$0xFFFFFFF0];
	[tilespmem:s16+$0x20] =	vst v1  }
0x9c: {  	[tilespmem:s16+$0xFFFFFFC0] =	vst v2;
	v2 =	vmul.f32 v6, v4;
	v1 =	vld [tilespmem:s23+$0x0]  }
0x9d: {  	v6 =	vld [tilespmem:s23+$0xFFFFFFC0]  }
0x9e: {  	v9 =	vld [tilespmem:s25+$0xFFFFFFC0];
	[tilespmem:s23+$0xFFFFFFD0] =	vst v2;
	v2 =	vmul.f32 v8, v3  }
.Ltmp1:
0x9f: {  	v4 =	vld [tilespmem:s25+$0x0];
	(pc) =	sbr.rel @p0 .LBB2_5-.Ltmp1, $4  }
0xa0: {  	[tilespmem:s23+$0xFFFFFFE0] =	vst v2;
	v3 =	vmul.f32 v7, v5;
	v2 =	vld [tilespmem:s23+$0x10]  }
0xa1: {  	v5 =	vld [tilespmem:s25+$0x10]  }
0xa2: {  	[tilespmem:s23+$0xFFFFFFF0] =	vst v3;
	v3 =	vld [tilespmem:s23+$0x20]  }
0xa3: {  	s16 =	sadd.s32 $0x80, s16;
	v7 =	vmul.f32 v9, v6;
	v6 =	vld [tilespmem:s25+$0x20]  }
0xa4: {  	_ =	sdelay $0x1  }
0xa5: {  	v1 =	vmul.f32 v4, v1  }
0xa6: {  	[tilespmem:s23+$0xFFFFFFC0] =	vst v7;
	v2 =	vmul.f32 v5, v2  }
0xa7: {  	[tilespmem:s23+$0x0] =	vst v1;
	v1 =	vmul.f32 v6, v3  }
0xa8: {  	[tilespmem:s23+$0x10] =	vst v2  }
0xa9: {  	[tilespmem:s23+$0x20] =	vst v1  }
0xaa: {  	v1 =	vld [tilespmem:$0xB380]  }
0xab: {  	v2 =	vld [tilespmem:$0x6380]  }
0xac: {  	v3 =	vld [tilespmem:$0xC780]  }
0xad: {  	v4 =	vld [tilespmem:$0x8B80];
	_ =	sdelay $0x3  }
0xae: {  	v1 =	vmul.f32 v2, v1  }
0xaf: {  	v2 =	vmul.f32 v4, v3  }
0xb0: {  	[tilespmem:$0xB380] =	vst v1  }
0xb1: {  	[tilespmem:$0xC780] =	vst v2  }
0xb2: {  	[spmem:s1] =	stream.indirect.scatter.add.f32 [tilespmem:s26], [sflag:$0x7], $0x1, s29, s17, $0xb8;
	[tilespmem:$0x14500] =	vst v63  }
0xb3: {  	_ =	swait.ge [sflag:s28], $0x1388  }
0xb4: {  	[sflag:s28] =	ssyncset.done $0x0  }
0xb5: {  	[sflag:s28] =	ssyncadd.s32 $0xFFFFEC78  }
0xb6: {  	[spmem:s2] =	stream.indirect.scatter.add.f32 [tilespmem:s20], [sflag:$0x7], $0x1, s29, s17, $0xb8;
	[tilespmem:$0x14500] =	vst v63  }
0xb7: {  	_ =	swait.ge [sflag:s28], $0x1388  }
0xb8: {  	[sflag:s28] =	ssyncset.done $0x0  }
0xb9: {  	[sflag:s28] =	ssyncadd.s32 $0xFFFFEC78  }
0xba: {  	_ =	swait.ge [sflag:s0], $0x1388  }
0xbb: {  	[sflag:s0] =	ssyncset.done $0x0  }
0xbc: {  	[sflag:s0] =	ssyncadd.s32 $0xFFFFEC78  }
0xbd: {  	_ =	swait.ge [sflag:s30], $0x1388  }
0xbe: {  	[sflag:s30] =	ssyncset.done $0x0  }
0xbf: {  	[sflag:s30] =	ssyncadd.s32 $0xFFFFEC78  }
0xc0: {  	_ =	swait.ge [sflag:s31], $0x1388  }
0xc1: {  	[sflag:s31] =	ssyncset.done $0x0  }
0xc2: {  	p0 =	seq.s32 s24, $0x13;
	[sflag:s31] =	ssyncadd.s32 $0xFFFFEC78  }
0xc3: {  	s11 =	sadd.s32 @!p0 s11, s19;
	_ =	swait.ge [sflag:s3], $0x1388  }
0xc4: {  	s11 =	sshrl.u32 @!p0 s11, $0x3;
	[sflag:s3] =	ssyncset.done $0x0  }
0xc5: {  	s15 =	simm.s32 @!p0 $0x0;
	s12 =	sadd.s32 @!p0 s7, s11;
	[sflag:s3] =	ssyncadd.s32 $0xFFFFEC78  }
0xc6: {  	[tilespmem:s15], [sflag:$0x3] =	stream.linear.gather @!p0 [hbm4b:s12+s15], $0x1388, $0x38;
	[tilespmem:$0x14500] =	vst v63  }
0xc7: {  	s16 =	simm.s32 @!p0 $0x2800;
	s12 =	sadd.s32 @!p0 s8, s11  }
0xc8: {  	[tilespmem:s16], [sflag:$0x4] =	stream.linear.gather @!p0 [hbm4b:s12+s15], $0x1388, $0x38;
	[tilespmem:$0x14500] =	vst v63  }
0xc9: {  	s12 =	sadd.s32 @!p0 s9, s11;
	s16 =	simm.s32 @!p0 $0x5000  }
0xca: {  	[tilespmem:s16], [sflag:$0x5] =	stream.linear.gather @!p0 [hbm4b:s12+s15], $0x1388, $0x38;
	[tilespmem:$0x14500] =	vst v63  }
0xcb: {  	s11 =	sadd.s32 @!p0 s10, s11;
	s12 =	simm.s32 @!p0 $0x7800  }
0xcc: {  	[tilespmem:s12], [sflag:$0x6] =	stream.linear.gather @!p0 [hbm4b:s11+s15], $0x1388, $0x38;
	[tilespmem:$0x14500] =	vst v63  }
0xcd: {  	_ = 	snop  }
0xce: {  	[tilespmem:s26], [sflag:$0x1] =	stream.indirect.gather [spmem:s4], $0x1, s13, s17, $0xb8;
	[tilespmem:$0x14500] =	vst v63  }
0xcf: {  	_ = 	snop  }
0xd0: {  	[tilespmem:s20], [sflag:$0x2] =	stream.indirect.gather [spmem:s5], $0x1, s13, s17, $0xb8;
	[tilespmem:$0x14500] =	vst v63  }
0xd1: {  	_ =	swait.ge [sflag:s21], $0x1388  }
0xd2: {  	[sflag:s21] =	ssyncset.done $0x0  }
0xd3: {  	[sflag:s21] =	ssyncadd.s32 $0xFFFFEC78  }
0xd4: {  	_ =	swait.ge [sflag:s22], $0x1388  }
0xd5: {  	[sflag:s22] =	ssyncset.done $0x0  }
0xd6: {  	s25 =	simm.s32 $0xA040;
	[sflag:s22] =	ssyncadd.s32 $0xFFFFEC78  }
0xd7: {  	s11 =	simm.s32 $0x6440;
	v1 =	vld [tilespmem:s25+$0x30]  }
0xd8: {  	v2 =	vld [tilespmem:s11+$0x30]  }
0xd9: {  	v3 =	vld [tilespmem:s11+$0xFFFFFFC0]  }
0xda: {  	v4 =	vld [tilespmem:s25+$0xFFFFFFD0]  }
0xdb: {  	v5 =	vld [tilespmem:s11+$0xFFFFFFD0]  }
0xdc: {  	v6 =	vld [tilespmem:s25+$0xFFFFFFE0]  }
0xdd: {  	v7 =	vld [tilespmem:s11+$0xFFFFFFE0]  }
0xde: {  	v8 =	vld [tilespmem:s11+$0xFFFFFFF0]  }
0xdf: {  	v10 =	vld [tilespmem:s25+$0x0]  }
0xe0: {  	v11 =	vld [tilespmem:s11+$0x0]  }
0xe1: {  	v12 =	vld [tilespmem:s25+$0x10]  }
0xe2: {  	v13 =	vld [tilespmem:s11+$0x10]  }
0xe3: {  	v14 =	vld [tilespmem:s11+$0x20];
	v1 =	vmul.f32 v2, v1  }
0xe4: {  	v2 =	vld [tilespmem:s25+$0xFFFFFFF0];
	v4 =	vmul.f32 v5, v4  }
0xe5: {  	v5 =	vld [tilespmem:s25+$0x20];
	[tilespmem:s25+$0x30] =	vst v1  }
0xe6: {  	s12 =	simm.s32 $0xB440;
	[tilespmem:s25+$0xFFFFFFD0] =	vst v4;
	v4 =	vmul.f32 v7, v6;
	v6 =	vld [tilespmem:s25+$0xFFFFFFC0]  }
0xe7: {  	s23 =	simm.s32 $0x8C40;
	v1 =	vld [tilespmem:s12+$0x30]  }
0xe8: {  	v9 =	vld [tilespmem:s23+$0x30]  }
0xe9: {  	v7 =	vld [tilespmem:s12+$0xFFFFFFD0]  }
0xea: {  	[tilespmem:s25+$0xFFFFFFE0] =	vst v4;
	v4 =	vld [tilespmem:s23+$0xFFFFFFD0];
	v2 =	vmul.f32 v8, v2  }
0xeb: {  	v8 =	vld [tilespmem:s12+$0xFFFFFFE0]  }
0xec: {  	v60 =	vld [tilespmem:s23+$0xFFFFFFE0];
	[tilespmem:s25+$0xFFFFFFF0] =	vst v2;
	v2 =	vmul.f32 v11, v10  }
0xed: {  	v3 =	vmul.f32 v3, v6;
	v6 =	vld [tilespmem:s12+$0xFFFFFFF0]  }
0xee: {  	v61 =	vld [tilespmem:s23+$0xFFFFFFF0];
	[tilespmem:s25+$0x0] =	vst v2  }
0xef: {  	v2 =	vmul.f32 v9, v1;
	[tilespmem:s25+$0xFFFFFFC0] =	vst v3;
	v1 =	vld [tilespmem:s12+$0x0]  }
0xf0: {  	v3 =	vmul.f32 v13, v12;
	v62 =	vld [tilespmem:s12+$0xFFFFFFC0]  }
0xf1: {  	v63 =	vld [tilespmem:s23+$0xFFFFFFC0];
	[tilespmem:s12+$0x30] =	vst v2;
	v2 =	vmul.f32 v14, v5  }
0xf2: {  	[tilespmem:s25+$0x10] =	vst v3;
	v3 =	vmul.f32 v4, v7;
	v4 =	vld [tilespmem:s23+$0x0]  }
0xf3: {  	v7 =	vmul.f32 v60, v8;
	v5 =	vld [tilespmem:s23+$0x10];
	[tilespmem:s25+$0x20] =	vst v2  }
0xf4: {  	v2 =	vld [tilespmem:s12+$0x10];
	[tilespmem:s12+$0xFFFFFFD0] =	vst v3;
	v6 =	vmul.f32 v61, v6  }
0xf5: {  	[tilespmem:s12+$0xFFFFFFE0] =	vst v7;
	v3 =	vld [tilespmem:s12+$0x20]  }
0xf6: {  	s16 =	simm.s32 $0xA0C0;
	s15 =	simm.s32 $0x0;
	[tilespmem:s12+$0xFFFFFFF0] =	vst v6;
	v7 =	vmul.f32 v63, v62;
	v6 =	vld [tilespmem:s23+$0x20]  }
.LBB2_7:
0xf7: {  	v8 =	vld [tilespmem:s16+$0x30];
	v1 =	vmul.f32 v4, v1;
	s11 =	sadd.s32 $0x80, s11  }
0xf8: {  	v4 =	vld [tilespmem:s11+$0x30];
	[tilespmem:s12+$0xFFFFFFC0] =	vst v7  }
0xf9: {  	s15 =	sadd.s32 $0x80, s15;
	v7 =	vld [tilespmem:s11+$0xFFFFFFC0];
	[tilespmem:s12+$0x0] =	vst v1;
	v1 =	vmul.f32 v5, v2  }
0xfa: {  	p0 =	slt.u32 s15, $0x1300;
	v2 =	vld [tilespmem:s16+$0xFFFFFFD0]  }
0xfb: {  	v5 =	vld [tilespmem:s11+$0xFFFFFFD0];
	[tilespmem:s12+$0x10] =	vst v1;
	v1 =	vmul.f32 v6, v3  }
0xfc: {  	v3 =	vld [tilespmem:s16+$0xFFFFFFE0]  }
0xfd: {  	v6 =	vld [tilespmem:s11+$0xFFFFFFE0];
	v4 =	vmul.f32 v4, v8;
	[tilespmem:s12+$0x20] =	vst v1  }
0xfe: {  	v1 =	vld [tilespmem:s16+$0xFFFFFFF0]  }
0xff: {  	s12 =	sadd.s32 $0x80, s12;
	v8 =	vld [tilespmem:s11+$0xFFFFFFF0];
	[tilespmem:s16+$0x30] =	vst v4  }
0x100: {  	s23 =	sadd.s32 $0x80, s23;
	v2 =	vmul.f32 v5, v2;
	v4 =	vld [tilespmem:s12+$0x30]  }
0x101: {  	v5 =	vld [tilespmem:s23+$0x30]  }
0x102: {  	[tilespmem:s16+$0xFFFFFFD0] =	vst v2;
	v2 =	vmul.f32 v6, v3;
	v3 =	vld [tilespmem:s16+$0x0]  }
0x103: {  	v6 =	vld [tilespmem:s11+$0x0]  }
0x104: {  	[tilespmem:s16+$0xFFFFFFE0] =	vst v2;
	v1 =	vmul.f32 v8, v1;
	v2 =	vld [tilespmem:s16+$0x10]  }
0x105: {  	v8 =	vld [tilespmem:s11+$0x10]  }
0x106: {  	[tilespmem:s16+$0xFFFFFFF0] =	vst v1;
	v1 =	vld [tilespmem:s16+$0x20];
	v4 =	vmul.f32 v5, v4  }
0x107: {  	v5 =	vld [tilespmem:s11+$0x20]  }
0x108: {  	v9 =	vld [tilespmem:s16+$0xFFFFFFC0];
	v3 =	vmul.f32 v6, v3;
	[tilespmem:s12+$0x30] =	vst v4  }
0x109: {  	v4 =	vld [tilespmem:s12+$0xFFFFFFD0]  }
0x10a: {  	v6 =	vld [tilespmem:s23+$0xFFFFFFD0];
	[tilespmem:s16+$0x0] =	vst v3;
	v2 =	vmul.f32 v8, v2  }
0x10b: {  	v3 =	vld [tilespmem:s12+$0xFFFFFFE0]  }
0x10c: {  	v8 =	vld [tilespmem:s23+$0xFFFFFFE0];
	[tilespmem:s16+$0x10] =	vst v2;
	v1 =	vmul.f32 v5, v1  }
0x10d: {  	v2 =	vmul.f32 v7, v9;
	v5 =	vld [tilespmem:s12+$0xFFFFFFF0]  }
0x10e: {  	v7 =	vld [tilespmem:s23+$0xFFFFFFF0];
	[tilespmem:s16+$0x20] =	vst v1  }
0x10f: {  	[tilespmem:s16+$0xFFFFFFC0] =	vst v2;
	v2 =	vmul.f32 v6, v4;
	v1 =	vld [tilespmem:s12+$0x0]  }
0x110: {  	v6 =	vld [tilespmem:s12+$0xFFFFFFC0]  }
0x111: {  	v9 =	vld [tilespmem:s23+$0xFFFFFFC0];
	[tilespmem:s12+$0xFFFFFFD0] =	vst v2;
	v2 =	vmul.f32 v8, v3  }
.Ltmp2:
0x112: {  	v4 =	vld [tilespmem:s23+$0x0];
	(pc) =	sbr.rel @p0 .LBB2_7-.Ltmp2, $4  }
0x113: {  	[tilespmem:s12+$0xFFFFFFE0] =	vst v2;
	v3 =	vmul.f32 v7, v5;
	v2 =	vld [tilespmem:s12+$0x10]  }
0x114: {  	v5 =	vld [tilespmem:s23+$0x10]  }
0x115: {  	[tilespmem:s12+$0xFFFFFFF0] =	vst v3;
	v3 =	vld [tilespmem:s12+$0x20]  }
0x116: {  	s16 =	sadd.s32 $0x80, s16;
	v7 =	vmul.f32 v9, v6;
	v6 =	vld [tilespmem:s23+$0x20]  }
0x117: {  	_ =	sdelay $0x1  }
0x118: {  	v1 =	vmul.f32 v4, v1  }
0x119: {  	[tilespmem:s12+$0xFFFFFFC0] =	vst v7;
	v2 =	vmul.f32 v5, v2  }
0x11a: {  	[tilespmem:s12+$0x0] =	vst v1;
	v1 =	vmul.f32 v6, v3  }
0x11b: {  	[tilespmem:s12+$0x10] =	vst v2  }
0x11c: {  	[tilespmem:s12+$0x20] =	vst v1  }
0x11d: {  	v1 =	vld [tilespmem:$0xB380]  }
0x11e: {  	v2 =	vld [tilespmem:$0x7780]  }
0x11f: {  	v3 =	vld [tilespmem:$0xC780]  }
0x120: {  	v63 =	vld [tilespmem:$0x9F80];
	_ =	sdelay $0x3  }
0x121: {  	v1 =	vmul.f32 v2, v1  }
0x122: {  	v2 =	vmul.f32 v63, v3  }
0x123: {  	[tilespmem:$0xB380] =	vst v1  }
0x124: {  	[tilespmem:$0xC780] =	vst v2  }
0x125: {  	[spmem:s1] =	stream.indirect.scatter.add.f32 [tilespmem:s26], [sflag:$0x7], $0x1, s14, s17, $0xb8;
	[tilespmem:$0x14500] =	vst v63  }
0x126: {  	s24 =	sadd.s32 $0x1, s24;
	_ =	swait.ge [sflag:s28], $0x1388  }
0x127: {  	p0 =	sne.s32 s24, $0x14;
	[sflag:s28] =	ssyncset.done $0x0  }
.Ltmp3:
0x128: {  	[sflag:s28] =	ssyncadd.s32 $0xFFFFEC78;
	(pc) =	sbr.rel @p0 .LBB2_4-.Ltmp3, $4  }
0x129: {  	[spmem:s2] =	stream.indirect.scatter.add.f32 [tilespmem:s20], [sflag:$0x7], $0x1, s14, s17, $0xb8;
	[tilespmem:$0x14500] =	vst v63  }
0x12a: {  	_ =	swait.ge [sflag:s28], $0x1388  }
0x12b: {  	[sflag:s28] =	ssyncset.done $0x0  }
0x12c: {  	[sflag:s28] =	ssyncadd.s32 $0xFFFFEC78  }
0x12d: {  	[bflag:$0x0] =	sbarrier.arrive $0xFFFF  }
0x12e: {  	s16 =	rddreg [dreg:$0x6]  }
0x12f: {  	s15 =	simm.s32 $0x20;
	s12 =	rddreg [dreg:$0xe]  }
0x130: {  	s24 =	simm.s32 $0x10;
	s25 =	rddreg [dreg:$0x14];
	s11 =	sshrl.u32 s16, $0x3  }
0x131: {  	[hbm:s12@s15], [sflag:s25] =	dma.strided [spmem:s11@s24], $0x320, s21, $0x10   }
0x132: {  	_ =	swait.ge [sflag:s28], $0x320  }
0x133: {  	[sflag:s28] =	ssyncset.done $0x0;
	s23 =	rddreg [dreg:$0x7]  }
0x134: {  	s12 =	rddreg [dreg:$0xf];
	[sflag:s28] =	ssyncadd.s32 $0xFFFFFCE0;
	s11 =	sshrl.u32 s23, $0x3  }
0x135: {  	[hbm:s12@s15], [sflag:s25] =	dma.strided [spmem:s11@s24], $0x320, s21, $0x10   }
0x136: {  	_ =	swait.ge [sflag:s28], $0x320  }
0x137: {  	s24 =	rddreg [dreg:$0x13]  }
0x138: {  	s25 =	rddreg [dreg:$0x10];
	s12 =	sadd.s32 $0x1, s24  }
0x139: {  	p0 =	sne.s32 s12, s25  }
.Ltmp4:
0x13a: {  	_ = 	snop;
	(pc) =	sbr.rel @p0 .LBB2_1-.Ltmp4, $3  }
0x13b: {  	_ =	sdelay $0x1  }
0x13c: {  	[sflag:s28] =	ssyncset.done $0x0  }
0x13d: {  	[sflag:s28] =	ssyncadd.s32 $0xFFFFFCE0  }
0x13e: {  	_ =	sfence.sel $0x180000  }
0x13f: {  	[bflag:$0x0] =	sbarrier.arrive $0xFFFF  }
0x140: {  	_ =	strace $0x90000047  }
0x141: {  	s0 =	stileid.u32;
	[bflag:$0x2] =	sbarrier.arrive $0xFFFF  }
0x142: {  	p0 =	sne.s32 s0, $0x0;
	s0 =	rddreg [dreg:$0x5]  }
0x143: {  	s0 =	sadd.s32 @!p0 $0x100000, s0  }
0x144: {  	[sflag:s0] =	ssyncadd.tile.s32 @!p0 $0x1;
	_ =	shalt  }
.Lfunc_end2:
_tile_overlayer_lowered:
.L_overlay_start_2:
0x145: {  	(tag) =	ssettag $0x2  }
0x146: {  	s0 =	rddreg [dreg:$0x0];
	s2 =	stileid.u32  }
0x147: {  	s1 =	rddreg [dreg:$0x1];
	p0 =	sne.s32 s2, $0x0  }
0x148: {  	s3 =	rddreg [dreg:$0x2];
	[bflag:$0x3] =	sbarrier.arrive $0xFFFF;
	s2 =	simm.s32 @!p0 $0x1C07  }
0x149: {  	[timem:s3], [sflag:s2] =	dma.local @!p0 [hbm:s0], s1  }
0x14a: {  	s0 =	simm.s32 @!p0 $0x7  }
0x14b: {  	_ =	swait.ge @!p0 [sflag:s0], s1  }
0x14c: {  	s1 =	ssub.s32 @!p0 $0x0, s1;
	[sflag:s0] =	ssyncset.done @!p0 $0x0  }
0x14d: {  	[sflag:s0] =	ssyncadd.s32 @!p0 s1  }
0x14e: {  	[bflag:$0x3] =	sbarrier.arrive $0xFFFF  }
0x14f: {  	_ =	shalt  }

</sc_bundles>
